<compile_context>
chip_gen: v7x
topology: tpu7x:2x2x1
jax: 0.10.2.dev20260603
libtpu: 0.0.44.dev20260713+nightly
codegen_flags: <defaults>
</compile_context>

<pallas_src>
import functools

import jax
import jax.numpy as jnp
from jax import lax
from jax.experimental import pallas as pl
from jax.experimental.pallas import tpu as pltpu
from jax.experimental.pallas import tpu_sc as plsc

_N = 512
_D = 512
_NC = 2
_NS = 16
_L = 16
_ROWS = _N // _NS


def _lower_bound(k_v, E, val):
    def body(_, lohi):
        lo, hi = lohi
        mid = lax.shift_right_logical(lo + hi, 1)
        pred = k_v[pl.ds(mid, _L)][0] < val
        return (jnp.where(pred, mid + 1, lo), jnp.where(pred, hi, mid))

    nbits = max(1, (E - 1).bit_length())
    lo, _ = lax.fori_loop(0, nbits, body, (jnp.int32(0), jnp.int32(E)))
    return lo


def _sc_scatter(kk, ww, lens, B, E):
    gpc = B // _NC
    mesh = plsc.VectorSubcoreMesh(core_axis_name="c", subcore_axis_name="s")

    @functools.partial(
        pl.kernel,
        out_type=jax.ShapeDtypeStruct((B, _N, _N), jnp.float32),
        mesh=mesh,
        compiler_params=pltpu.CompilerParams(needs_layout_passes=False),
        scratch_types=[
            pltpu.VMEM((E + _L,), jnp.int32),
            pltpu.VMEM((E,), jnp.float32),
            pltpu.VMEM((E + _L,), jnp.int32),
            pltpu.VMEM((E,), jnp.float32),
            pltpu.VMEM((_ROWS, _N), jnp.float32),
            pltpu.VMEM((E + _L,), jnp.int32),
            pltpu.VMEM((E,), jnp.float32),
            pltpu.VMEM((E + _L,), jnp.int32),
            pltpu.VMEM((E,), jnp.float32),
            pltpu.VMEM((_ROWS, _N), jnp.float32),
            pltpu.VMEM((B + _L,), jnp.int32),
            pltpu.SemaphoreType.DMA,
            pltpu.SemaphoreType.DMA,
            pltpu.SemaphoreType.DMA,
        ],
    )
    def k(kk_h, ww_h, lens_h, pre_h,
          k1a, w1a, k2a, w2a, bufa, k1b, w1b, k2b, w2b, bufb, lens_v,
          sem_i, sem_oa, sem_ob):
        c = lax.axis_index("c")
        t = lax.axis_index("s")
        lo = t * _ROWS
        hi = lo + _ROWS
        zeros16 = jnp.zeros((_L,), jnp.float32)
        sent16 = jnp.full((_L,), -1, jnp.int32)
        bufs_a = (k1a, w1a, k2a, w2a, bufa, sem_oa)
        bufs_b = (k1b, w1b, k2b, w2b, bufb, sem_ob)

        pltpu.sync_copy(lens_h, lens_v.at[pl.ds(0, B)])

        def in_copies(g, bufs):
            k1_v, w1_v, k2_v, w2_v, _, _ = bufs
            e0 = (c * gpc + g) * E
            return [
                pltpu.make_async_copy(
                    kk_h.at[0, pl.ds(e0, E)], k1_v.at[pl.ds(0, E)], sem_i),
                pltpu.make_async_copy(ww_h.at[0, pl.ds(e0, E)], w1_v, sem_i),
                pltpu.make_async_copy(
                    kk_h.at[1, pl.ds(e0, E)], k2_v.at[pl.ds(0, E)], sem_i),
                pltpu.make_async_copy(ww_h.at[1, pl.ds(e0, E)], w2_v, sem_i),
            ]

        def out_copy(bg, bufs):
            return pltpu.make_async_copy(
                bufs[4], pre_h.at[bg, pl.ds(lo, _ROWS), :], bufs[5])

        def len_of(bg):
            return lens_v[pl.ds(bg, _L)][0]

        def process(g, bufs, next_bufs, issue_next):
            k1_v, w1_v, k2_v, w2_v, buf, _ = bufs
            bg = c * gpc + g

            @pl.when((g >= 2) & (lo < len_of(bg - 2)))
            def _():
                out_copy(bg - 2, bufs).wait()

            for cp in in_copies(g, bufs):
                cp.wait()
            k1_v[pl.ds(E, _L)] = sent16
            k2_v[pl.ds(E, _L)] = sent16

            @pl.when(issue_next)
            def _():
                for cp in in_copies(g + 1, next_bufs):
                    cp.start()

            len_b = len_of(bg)

            @pl.when(lo < len_b)
            def _():
                @plsc.parallel_loop(0, _ROWS * _N // _L, unroll=8)
                def _zero(i):
                    r = lax.shift_right_logical(i, 5)
                    off = jnp.bitwise_and(i, 31) * _L
                    buf[r, pl.ds(off, _L)] = zeros16

                base = bg * (_N * _N)
                lim_lo = base + lo * _N
                lim_hi = base + jnp.minimum(hi, len_b) * _N

                def scan_pass(k_v, w_v):
                    c0 = lax.shift_right_logical(
                        _lower_bound(k_v, E, lim_lo), 4)
                    e1 = _lower_bound(k_v, E, lim_hi)
                    c1 = lax.shift_right_logical(e1 + _L - 1, 4)

                    def scat(i, carry2):
                        key = k_v[pl.ds(i * _L, _L)]
                        nxt = k_v[pl.ds(i * _L + 1, _L)]
                        wv = w_v[pl.ds(i * _L, _L)]
                        r = jnp.bitwise_and(
                            lax.shift_right_logical(key, 9), _N - 1)
                        col = jnp.bitwise_and(key, _N - 1)
                        m = (key >= lim_lo) & (key < lim_hi) & (key != nxt)
                        plsc.store_scatter(buf, [r - lo, col], wv, mask=m)
                        return carry2

                    lax.fori_loop(c0, c1, scat, 0)

                scan_pass(k1_v, w1_v)
                scan_pass(k2_v, w2_v)
                out_copy(bg, bufs).start()

        for cp in in_copies(0, bufs_a):
            cp.start()

        def per_pair(g2, carry):
            g = g2 * 2
            process(g, bufs_a, bufs_b, g + 1 < gpc)
            process(g + 1, bufs_b, bufs_a, g + 2 < gpc)
            return carry

        lax.fori_loop(0, gpc // 2, per_pair, 0)

        for gl, bufs in ((gpc - 2, bufs_a), (gpc - 1, bufs_b)):
            bgl = c * gpc + gl

            @pl.when(lo < len_of(bgl))
            def _():
                out_copy(bgl, bufs).wait()

    return k(kk, ww, lens)


def _mm_body(lens_ref, pre_ref, w_ref, bias_ref, out_ref):
    b = pl.program_id(0)
    n = lens_ref[b]
    acc = lax.dot_general(
        pre_ref[0],
        w_ref[...],
        dimension_numbers=(((1,), (1,)), ((), ())),
        preferred_element_type=jnp.float32,
    )
    rows = lax.broadcasted_iota(jnp.int32, (_N, _D), 0)
    out_ref[0] = jnp.where(rows < n, acc + bias_ref[...][None, :], 0.0)


def _matmul_mask(pre, graph_lens, W, b):
    B = pre.shape[0]
    return pl.pallas_call(
        _mm_body,
        grid=(B,),
        in_specs=[
            pl.BlockSpec(memory_space=pltpu.SMEM),
            pl.BlockSpec((1, _N, _N), lambda i: (i, 0, 0)),
            pl.BlockSpec((_D, _N), lambda i: (0, 0)),
            pl.BlockSpec((_D,), lambda i: (0,)),
        ],
        out_specs=pl.BlockSpec((1, _N, _D), lambda i: (i, 0, 0)),
        out_shape=jax.ShapeDtypeStruct((B, _N, _D), jnp.float32),
    )(graph_lens.astype(jnp.int32), pre, W, b)


def kernel(edge_index, edge_weight, graph_lens, W, b):
    B, E, _ = edge_index.shape
    src = edge_index[..., 0].astype(jnp.int32)
    dst = edge_index[..., 1].astype(jnp.int32)
    w = edge_weight.astype(jnp.float32)
    base = jnp.arange(B, dtype=jnp.int32)[:, None] * (_N * _N)
    key1 = (base + src * _N + dst).ravel()
    key2 = (base + dst * _N + src).ravel()
    wf = w.ravel()
    k1, w1 = lax.sort((key1, wf), dimension=0, num_keys=1, is_stable=False)
    k2, w2 = lax.sort((key2, wf), dimension=0, num_keys=1, is_stable=False)
    kk = jnp.stack([k1, k2], axis=0)
    ww = jnp.stack([w1, w2], axis=0)
    pre = _sc_scatter(kk, ww, graph_lens.astype(jnp.int32), B, E)
    return _matmul_mask(pre, graph_lens, W, b)

# --- scband reference (transcript-rebuilt; emitter-appended) ---
"""Pipeline reference for scband-graph-embedder-12034498363456 (READ-ONLY COPY).

The authoritative reference and input builder live on the scoring server;
editing this copy changes nothing except your own understanding.
"""

import jax, jax.numpy as jnp
import numpy as np

B, E, N, D = 64, 2048, 512, 512  # batch, edges/graph, max_nodes (=pre dim, grammar=None), target_dim


def setup_inputs(seed: int = 0) -> dict:
    key = jax.random.key(seed)
    k1, k2, k3, k4 = jax.random.split(key, 4)
    edge_index = jax.random.randint(k1, (B, E, 2), 0, N)
    edge_weight = jax.random.uniform(k2, (B, E), dtype=jnp.float32)
    graph_lens = jax.random.randint(k3, (B,), 1, N + 1)
    # Linear(max_nodes -> target_dim) parameters
    W = jax.random.normal(k4, (D, N), dtype=jnp.float32) * 0.02
    b = jnp.zeros((D,), dtype=jnp.float32)
    return {"edge_index": edge_index, "edge_weight": edge_weight, "graph_lens": graph_lens, "W": W, "b": b}


def reference(edge_index, edge_weight, graph_lens, W, b):
    # Tensorized GraphEmbedder.forward: scatter symmetric edge weights into a
    # dense [B, N, N] adjacency (this_max_nodes == max_nodes == N, grammar=None),
    # apply the Linear embed, then zero rows beyond each graph's node count.
    Bq, Eq, _ = edge_index.shape
    pre = jnp.zeros((Bq, N, N), dtype=edge_weight.dtype)
    bidx = jnp.broadcast_to(jnp.arange(Bq)[:, None], (Bq, Eq))
    src = edge_index[..., 0]
    dst = edge_index[..., 1]
    pre = pre.at[bidx, src, dst].set(edge_weight)
    pre = pre.at[bidx, dst, src].set(edge_weight)
    out = pre @ W.T + b  # Linear(N -> D)
    mask = (jnp.arange(N)[None, :, None] < graph_lens[:, None, None]).astype(out.dtype)
    return out * mask

if __name__ == "__main__":
    import jax
    _d = setup_inputs()
    print(jax.jit(kernel)(*tuple(_d.values())))

</pallas_src>

<mosaic_0001>
#map = affine_map<(d0, d1) -> (0, 0)>
#map1 = affine_map<(d0, d1) -> (0)>
#map2 = affine_map<(d0, d1) -> (0, 0, 0)>
module attributes {stable_mosaic.version = 14 : i64} {
  func.func @k(%arg0: i32, %arg1: i32, %arg2: memref<2x131072xi32, #tpu.memory_space<hbm>>, %arg3: memref<2x131072xf32, #tpu.memory_space<hbm>>, %arg4: memref<64xi32, #tpu.memory_space<hbm>>, %arg5: memref<64x512x512xf32, #tpu.memory_space<hbm>>, %arg6: memref<2064xi32, #tpu.memory_space<vmem>>, %arg7: memref<2048xf32, #tpu.memory_space<vmem>>, %arg8: memref<2064xi32, #tpu.memory_space<vmem>>, %arg9: memref<2048xf32, #tpu.memory_space<vmem>>, %arg10: memref<32x512xf32, #tpu.memory_space<vmem>>, %arg11: memref<2064xi32, #tpu.memory_space<vmem>>, %arg12: memref<2048xf32, #tpu.memory_space<vmem>>, %arg13: memref<2064xi32, #tpu.memory_space<vmem>>, %arg14: memref<2048xf32, #tpu.memory_space<vmem>>, %arg15: memref<32x512xf32, #tpu.memory_space<vmem>>, %arg16: memref<80xi32, #tpu.memory_space<vmem>>, %arg17: memref<!tpu.dma_semaphore, #tpu.memory_space<semaphore_mem>>, %arg18: memref<!tpu.dma_semaphore, #tpu.memory_space<semaphore_mem>>, %arg19: memref<!tpu.dma_semaphore, #tpu.memory_space<semaphore_mem>>) attributes {dimension_semantics = [#tpu.dimension_semantics<core_parallel>, #tpu.dimension_semantics<subcore_parallel>], iteration_bounds = array<i64: 2, 16>, scalar_prefetch = 0 : i64, scratch_operands = 14 : i64, tpu.core_type = #tpu.core_type<sc_vector_subcore>, window_params = [{transform_indices = #map}, {transform_indices = #map}, {transform_indices = #map1}, {transform_indices = #map2}]} {
    %mul3A = arith.constant 32 : i32
    %mul3A_0 = arith.muli %arg1, %mul3A : i32
    %add3A = arith.constant 32 : i32
    %add3A_1 = arith.addi %mul3A_0, %add3A : i32
    %broadcast_in_dim3A = arith.constant 0.000000e+00 : f32
    %broadcast_in_dim3A_2 = vector.broadcast %broadcast_in_dim3A : f32 to vector<16xf32>
    %broadcast_in_dim3A_3 = arith.constant -1 : i32
    %broadcast_in_dim3A_4 = vector.broadcast %broadcast_in_dim3A_3 : i32 to vector<16xi32>
    "tpu.region"() ({
      %run_scoped3A = tpu.sem_alloc : memref<!tpu.dma_semaphore, #tpu.memory_space<semaphore_mem>>
      %dma_start3A_61 = arith.constant 0 : i32
      %dma_start3A_62 = tpu.memref_slice %arg16[%dma_start3A_61] : memref<80xi32, #tpu.memory_space<vmem>> -> memref<64xi32, #tpu.memory_space<vmem>>
      %dma_start3A_63 = arith.constant 0 : i32
      %dma_start3A_64 = tpu.memref_slice %arg16[%dma_start3A_63] : memref<80xi32, #tpu.memory_space<vmem>> -> memref<64xi32, #tpu.memory_space<vmem>>
      tpu.enqueue_dma source(%arg4 : memref<64xi32, #tpu.memory_space<hbm>>) target(%dma_start3A_64 : memref<64xi32, #tpu.memory_space<vmem>>) target_semaphore(%run_scoped3A : memref<!tpu.dma_semaphore, #tpu.memory_space<semaphore_mem>>)
      %dma_wait3A = arith.constant 0 : i32
      %dma_wait3A_65 = tpu.memref_slice %arg16[%dma_wait3A] : memref<80xi32, #tpu.memory_space<vmem>> -> memref<64xi32, #tpu.memory_space<vmem>>
      %dma_wait3A_66 = arith.constant 0 : i32
      %dma_wait3A_67 = tpu.memref_slice %arg16[%dma_wait3A_66] : memref<80xi32, #tpu.memory_space<vmem>> -> memref<64xi32, #tpu.memory_space<vmem>>
      tpu.wait_dma2 semaphore(%run_scoped3A : memref<!tpu.dma_semaphore, #tpu.memory_space<semaphore_mem>>) src(%arg4 : memref<64xi32, #tpu.memory_space<hbm>>) dst(%dma_wait3A_67 : memref<64xi32, #tpu.memory_space<vmem>>)
      tpu.yield
    }) : () -> ()
    %mul3A_5 = arith.constant 32 : i32
    %mul3A_6 = arith.muli %arg0, %mul3A_5 : i32
    %add3A_7 = arith.constant 0 : i32
    %add3A_8 = arith.addi %mul3A_6, %add3A_7 : i32
    %mul3A_9 = arith.constant 2048 : i32
    %mul3A_10 = arith.muli %add3A_8, %mul3A_9 : i32
    %dma_start3A = arith.constant 0 : i32
    %dma_start3A_11 = arith.constant 0 : i32
    %dma_start3A_12 = tpu.memref_slice %arg6[%dma_start3A_11] : memref<2064xi32, #tpu.memory_space<vmem>> -> memref<2048xi32, #tpu.memory_space<vmem>>
    %dma_start3A_13 = tpu.memref_slice %arg2[%dma_start3A, %mul3A_10] : memref<2x131072xi32, #tpu.memory_space<hbm>> -> memref<1x2048xi32, #tpu.memory_space<hbm>>
    %dma_start3A_14 = tpu.memref_squeeze %dma_start3A_13 : memref<1x2048xi32, #tpu.memory_space<hbm>> -> memref<2048xi32, #tpu.memory_space<hbm>>
    %dma_start3A_15 = arith.constant 0 : i32
    %dma_start3A_16 = tpu.memref_slice %arg6[%dma_start3A_15] : memref<2064xi32, #tpu.memory_space<vmem>> -> memref<2048xi32, #tpu.memory_space<vmem>>
    %dma_start3A_17 = tpu.memref_slice %arg2[%dma_start3A, %mul3A_10] : memref<2x131072xi32, #tpu.memory_space<hbm>> -> memref<1x2048xi32, #tpu.memory_space<hbm>>
    %dma_start3A_18 = tpu.memref_squeeze %dma_start3A_17 : memref<1x2048xi32, #tpu.memory_space<hbm>> -> memref<2048xi32, #tpu.memory_space<hbm>>
    tpu.enqueue_dma source(%dma_start3A_18 : memref<2048xi32, #tpu.memory_space<hbm>>) target(%dma_start3A_16 : memref<2048xi32, #tpu.memory_space<vmem>>) target_semaphore(%arg17 : memref<!tpu.dma_semaphore, #tpu.memory_space<semaphore_mem>>)
    %dma_start3A_19 = arith.constant 0 : i32
    %dma_start3A_20 = tpu.memref_slice %arg3[%dma_start3A_19, %mul3A_10] : memref<2x131072xf32, #tpu.memory_space<hbm>> -> memref<1x2048xf32, #tpu.memory_space<hbm>>
    %dma_start3A_21 = tpu.memref_squeeze %dma_start3A_20 : memref<1x2048xf32, #tpu.memory_space<hbm>> -> memref<2048xf32, #tpu.memory_space<hbm>>
    %dma_start3A_22 = tpu.memref_slice %arg3[%dma_start3A_19, %mul3A_10] : memref<2x131072xf32, #tpu.memory_space<hbm>> -> memref<1x2048xf32, #tpu.memory_space<hbm>>
    %dma_start3A_23 = tpu.memref_squeeze %dma_start3A_22 : memref<1x2048xf32, #tpu.memory_space<hbm>> -> memref<2048xf32, #tpu.memory_space<hbm>>
    tpu.enqueue_dma source(%dma_start3A_23 : memref<2048xf32, #tpu.memory_space<hbm>>) target(%arg7 : memref<2048xf32, #tpu.memory_space<vmem>>) target_semaphore(%arg17 : memref<!tpu.dma_semaphore, #tpu.memory_space<semaphore_mem>>)
    %dma_start3A_24 = arith.constant 1 : i32
    %dma_start3A_25 = arith.constant 0 : i32
    %dma_start3A_26 = tpu.memref_slice %arg8[%dma_start3A_25] : memref<2064xi32, #tpu.memory_space<vmem>> -> memref<2048xi32, #tpu.memory_space<vmem>>
    %dma_start3A_27 = tpu.memref_slice %arg2[%dma_start3A_24, %mul3A_10] : memref<2x131072xi32, #tpu.memory_space<hbm>> -> memref<1x2048xi32, #tpu.memory_space<hbm>>
    %dma_start3A_28 = tpu.memref_squeeze %dma_start3A_27 : memref<1x2048xi32, #tpu.memory_space<hbm>> -> memref<2048xi32, #tpu.memory_space<hbm>>
    %dma_start3A_29 = arith.constant 0 : i32
    %dma_start3A_30 = tpu.memref_slice %arg8[%dma_start3A_29] : memref<2064xi32, #tpu.memory_space<vmem>> -> memref<2048xi32, #tpu.memory_space<vmem>>
    %dma_start3A_31 = tpu.memref_slice %arg2[%dma_start3A_24, %mul3A_10] : memref<2x131072xi32, #tpu.memory_space<hbm>> -> memref<1x2048xi32, #tpu.memory_space<hbm>>
    %dma_start3A_32 = tpu.memref_squeeze %dma_start3A_31 : memref<1x2048xi32, #tpu.memory_space<hbm>> -> memref<2048xi32, #tpu.memory_space<hbm>>
    tpu.enqueue_dma source(%dma_start3A_32 : memref<2048xi32, #tpu.memory_space<hbm>>) target(%dma_start3A_30 : memref<2048xi32, #tpu.memory_space<vmem>>) target_semaphore(%arg17 : memref<!tpu.dma_semaphore, #tpu.memory_space<semaphore_mem>>)
    %dma_start3A_33 = arith.constant 1 : i32
    %dma_start3A_34 = tpu.memref_slice %arg3[%dma_start3A_33, %mul3A_10] : memref<2x131072xf32, #tpu.memory_space<hbm>> -> memref<1x2048xf32, #tpu.memory_space<hbm>>
    %dma_start3A_35 = tpu.memref_squeeze %dma_start3A_34 : memref<1x2048xf32, #tpu.memory_space<hbm>> -> memref<2048xf32, #tpu.memory_space<hbm>>
    %dma_start3A_36 = tpu.memref_slice %arg3[%dma_start3A_33, %mul3A_10] : memref<2x131072xf32, #tpu.memory_space<hbm>> -> memref<1x2048xf32, #tpu.memory_space<hbm>>
    %dma_start3A_37 = tpu.memref_squeeze %dma_start3A_36 : memref<1x2048xf32, #tpu.memory_space<hbm>> -> memref<2048xf32, #tpu.memory_space<hbm>>
    tpu.enqueue_dma source(%dma_start3A_37 : memref<2048xf32, #tpu.memory_space<hbm>>) target(%arg9 : memref<2048xf32, #tpu.memory_space<vmem>>) target_semaphore(%arg17 : memref<!tpu.dma_semaphore, #tpu.memory_space<semaphore_mem>>)
    %scan3A = arith.constant 0 : i32
    %scan3A_38 = arith.constant 0 : i32
    %scan3A_39 = arith.constant 16 : i32
    %scan3A_40 = arith.addi %scan3A_38, %scan3A_39 : i32
    %scan3A_41 = arith.constant 1 : i32
    scf.for %scan3A_61 = %scan3A_38 to %scan3A_40 step %scan3A_41  : i32 {
      %mul3A_62 = arith.constant 2 : i32
      %mul3A_63 = arith.muli %scan3A_61, %mul3A_62 : i32
      %add3A_64 = arith.constant 1 : i32
      %add3A_65 = arith.addi %mul3A_63, %add3A_64 : i32
      %lt3A_66 = arith.constant 32 : i32
      %lt3A_67 = arith.cmpi slt, %add3A_65, %lt3A_66 : i32
      %mul3A_68 = arith.constant 32 : i32
      %mul3A_69 = arith.muli %arg0, %mul3A_68 : i32
      %add3A_70 = arith.addi %mul3A_69, %mul3A_63 : i32
      %ge3A = arith.constant 2 : i32
      %ge3A_71 = arith.cmpi sge, %mul3A_63, %ge3A : i32
      %sub3A = arith.constant 2 : i32
      %sub3A_72 = arith.subi %add3A_70, %sub3A : i32
      %get3A_73 = arith.index_cast %sub3A_72 : i32 to index
      %get3A_74 = tpu.vector_load %arg16[%get3A_73] {strides = array<i32>} : memref<80xi32, #tpu.memory_space<vmem>>, vector<16xi32>,
      %slice3A_75 = vector.extract_strided_slice %get3A_74 {offsets = [0], sizes = [1], strides = [1]} : vector<16xi32> to vector<1xi32>
      %squeeze3A_76 = vector.extract %slice3A_75[0] : i32 from vector<1xi32>
      %lt3A_77 = arith.cmpi slt, %mul3A_0, %squeeze3A_76 : i32
      %and3A = arith.andi %ge3A_71, %lt3A_77 : i1
      %convert_element_type3A_78 = arith.extui %and3A : i1 to i32
      %cond3A_79 = arith.constant 0 : i32
      %cond3A_80 = arith.cmpi ne, %convert_element_type3A_78, %cond3A_79 : i32
      scf.if %cond3A_80 {
        %sub3A_197 = arith.constant 2 : i32
        %sub3A_198 = arith.subi %add3A_70, %sub3A_197 : i32
        %dma_wait3A_199 = arith.constant 0 : i32
        %dma_wait3A_200 = tpu.memref_slice %arg5[%sub3A_198, %mul3A_0, %dma_wait3A_199] : memref<64x512x512xf32, #tpu.memory_space<hbm>> -> memref<1x32x512xf32, #tpu.memory_space<hbm>>
        %dma_wait3A_201 = tpu.memref_squeeze %dma_wait3A_200 : memref<1x32x512xf32, #tpu.memory_space<hbm>> -> memref<32x512xf32, #tpu.memory_space<hbm>>
        %dma_wait3A_202 = arith.constant 0 : i32
        %dma_wait3A_203 = tpu.memref_slice %arg5[%sub3A_198, %mul3A_0, %dma_wait3A_202] : memref<64x512x512xf32, #tpu.memory_space<hbm>> -> memref<1x32x512xf32, #tpu.memory_space<hbm>>
        %dma_wait3A_204 = tpu.memref_squeeze %dma_wait3A_203 : memref<1x32x512xf32, #tpu.memory_space<hbm>> -> memref<32x512xf32, #tpu.memory_space<hbm>>
        tpu.wait_dma2 semaphore(%arg18 : memref<!tpu.dma_semaphore, #tpu.memory_space<semaphore_mem>>) src(%arg10 : memref<32x512xf32, #tpu.memory_space<vmem>>) dst(%dma_wait3A_204 : memref<32x512xf32, #tpu.memory_space<hbm>>)
      } else {
      }
      %mul3A_81 = arith.constant 32 : i32
      %mul3A_82 = arith.muli %arg0, %mul3A_81 : i32
      %add3A_83 = arith.addi %mul3A_82, %mul3A_63 : i32
      %mul3A_84 = arith.constant 2048 : i32
      %mul3A_85 = arith.muli %add3A_83, %mul3A_84 : i32
      %dma_wait3A = arith.constant 0 : i32
      %dma_wait3A_86 = arith.constant 0 : i32
      %dma_wait3A_87 = tpu.memref_slice %arg6[%dma_wait3A_86] : memref<2064xi32, #tpu.memory_space<vmem>> -> memref<2048xi32, #tpu.memory_space<vmem>>
      %dma_wait3A_88 = tpu.memref_slice %arg2[%dma_wait3A, %mul3A_85] : memref<2x131072xi32, #tpu.memory_space<hbm>> -> memref<1x2048xi32, #tpu.memory_space<hbm>>
      %dma_wait3A_89 = tpu.memref_squeeze %dma_wait3A_88 : memref<1x2048xi32, #tpu.memory_space<hbm>> -> memref<2048xi32, #tpu.memory_space<hbm>>
      %dma_wait3A_90 = arith.constant 0 : i32
      %dma_wait3A_91 = tpu.memref_slice %arg6[%dma_wait3A_90] : memref<2064xi32, #tpu.memory_space<vmem>> -> memref<2048xi32, #tpu.memory_space<vmem>>
      %dma_wait3A_92 = tpu.memref_slice %arg2[%dma_wait3A, %mul3A_85] : memref<2x131072xi32, #tpu.memory_space<hbm>> -> memref<1x2048xi32, #tpu.memory_space<hbm>>
      %dma_wait3A_93 = tpu.memref_squeeze %dma_wait3A_92 : memref<1x2048xi32, #tpu.memory_space<hbm>> -> memref<2048xi32, #tpu.memory_space<hbm>>
      tpu.wait_dma2 semaphore(%arg17 : memref<!tpu.dma_semaphore, #tpu.memory_space<semaphore_mem>>) src(%dma_wait3A_93 : memref<2048xi32, #tpu.memory_space<hbm>>) dst(%dma_wait3A_91 : memref<2048xi32, #tpu.memory_space<vmem>>)
      %dma_wait3A_94 = arith.constant 0 : i32
      %dma_wait3A_95 = tpu.memref_slice %arg3[%dma_wait3A_94, %mul3A_85] : memref<2x131072xf32, #tpu.memory_space<hbm>> -> memref<1x2048xf32, #tpu.memory_space<hbm>>
      %dma_wait3A_96 = tpu.memref_squeeze %dma_wait3A_95 : memref<1x2048xf32, #tpu.memory_space<hbm>> -> memref<2048xf32, #tpu.memory_space<hbm>>
      %dma_wait3A_97 = tpu.memref_slice %arg3[%dma_wait3A_94, %mul3A_85] : memref<2x131072xf32, #tpu.memory_space<hbm>> -> memref<1x2048xf32, #tpu.memory_space<hbm>>
      %dma_wait3A_98 = tpu.memref_squeeze %dma_wait3A_97 : memref<1x2048xf32, #tpu.memory_space<hbm>> -> memref<2048xf32, #tpu.memory_space<hbm>>
      tpu.wait_dma2 semaphore(%arg17 : memref<!tpu.dma_semaphore, #tpu.memory_space<semaphore_mem>>) src(%dma_wait3A_98 : memref<2048xf32, #tpu.memory_space<hbm>>) dst(%arg7 : memref<2048xf32, #tpu.memory_space<vmem>>)
      %dma_wait3A_99 = arith.constant 1 : i32
      %dma_wait3A_100 = arith.constant 0 : i32
      %dma_wait3A_101 = tpu.memref_slice %arg8[%dma_wait3A_100] : memref<2064xi32, #tpu.memory_space<vmem>> -> memref<2048xi32, #tpu.memory_space<vmem>>
      %dma_wait3A_102 = tpu.memref_slice %arg2[%dma_wait3A_99, %mul3A_85] : memref<2x131072xi32, #tpu.memory_space<hbm>> -> memref<1x2048xi32, #tpu.memory_space<hbm>>
      %dma_wait3A_103 = tpu.memref_squeeze %dma_wait3A_102 : memref<1x2048xi32, #tpu.memory_space<hbm>> -> memref<2048xi32, #tpu.memory_space<hbm>>
      %dma_wait3A_104 = arith.constant 0 : i32
      %dma_wait3A_105 = tpu.memref_slice %arg8[%dma_wait3A_104] : memref<2064xi32, #tpu.memory_space<vmem>> -> memref<2048xi32, #tpu.memory_space<vmem>>
      %dma_wait3A_106 = tpu.memref_slice %arg2[%dma_wait3A_99, %mul3A_85] : memref<2x131072xi32, #tpu.memory_space<hbm>> -> memref<1x2048xi32, #tpu.memory_space<hbm>>
      %dma_wait3A_107 = tpu.memref_squeeze %dma_wait3A_106 : memref<1x2048xi32, #tpu.memory_space<hbm>> -> memref<2048xi32, #tpu.memory_space<hbm>>
      tpu.wait_dma2 semaphore(%arg17 : memref<!tpu.dma_semaphore, #tpu.memory_space<semaphore_mem>>) src(%dma_wait3A_107 : memref<2048xi32, #tpu.memory_space<hbm>>) dst(%dma_wait3A_105 : memref<2048xi32, #tpu.memory_space<vmem>>)
      %dma_wait3A_108 = arith.constant 1 : i32
      %dma_wait3A_109 = tpu.memref_slice %arg3[%dma_wait3A_108, %mul3A_85] : memref<2x131072xf32, #tpu.memory_space<hbm>> -> memref<1x2048xf32, #tpu.memory_space<hbm>>
      %dma_wait3A_110 = tpu.memref_squeeze %dma_wait3A_109 : memref<1x2048xf32, #tpu.memory_space<hbm>> -> memref<2048xf32, #tpu.memory_space<hbm>>
      %dma_wait3A_111 = tpu.memref_slice %arg3[%dma_wait3A_108, %mul3A_85] : memref<2x131072xf32, #tpu.memory_space<hbm>> -> memref<1x2048xf32, #tpu.memory_space<hbm>>
      %dma_wait3A_112 = tpu.memref_squeeze %dma_wait3A_111 : memref<1x2048xf32, #tpu.memory_space<hbm>> -> memref<2048xf32, #tpu.memory_space<hbm>>
      tpu.wait_dma2 semaphore(%arg17 : memref<!tpu.dma_semaphore, #tpu.memory_space<semaphore_mem>>) src(%dma_wait3A_112 : memref<2048xf32, #tpu.memory_space<hbm>>) dst(%arg9 : memref<2048xf32, #tpu.memory_space<vmem>>)
      %swap3A = arith.constant 2048 : index
      %swap3A_113 = tpu.vector_load %arg6[%swap3A] {strides = array<i32>} : memref<2064xi32, #tpu.memory_space<vmem>>, vector<16xi32>,
      tpu.vector_store %arg6[%swap3A], %broadcast_in_dim3A_4 {strides = array<i32>} : memref<2064xi32, #tpu.memory_space<vmem>>, vector<16xi32>,
      %swap3A_114 = arith.constant 2048 : index
      %swap3A_115 = tpu.vector_load %arg8[%swap3A_114] {strides = array<i32>} : memref<2064xi32, #tpu.memory_space<vmem>>, vector<16xi32>,
      tpu.vector_store %arg8[%swap3A_114], %broadcast_in_dim3A_4 {strides = array<i32>} : memref<2064xi32, #tpu.memory_space<vmem>>, vector<16xi32>,
      %convert_element_type3A_116 = arith.extui %lt3A_67 : i1 to i32
      %cond3A_117 = arith.constant 0 : i32
      %cond3A_118 = arith.cmpi ne, %convert_element_type3A_116, %cond3A_117 : i32
      scf.if %cond3A_118 {
        %add3A_197 = arith.constant 1 : i32
        %add3A_198 = arith.addi %mul3A_63, %add3A_197 : i32
        %mul3A_199 = arith.constant 32 : i32
        %mul3A_200 = arith.muli %arg0, %mul3A_199 : i32
        %add3A_201 = arith.addi %mul3A_200, %add3A_198 : i32
        %mul3A_202 = arith.constant 2048 : i32
        %mul3A_203 = arith.muli %add3A_201, %mul3A_202 : i32
        %dma_start3A_204 = arith.constant 0 : i32
        %dma_start3A_205 = arith.constant 0 : i32
        %dma_start3A_206 = tpu.memref_slice %arg11[%dma_start3A_205] : memref<2064xi32, #tpu.memory_space<vmem>> -> memref<2048xi32, #tpu.memory_space<vmem>>
        %dma_start3A_207 = tpu.memref_slice %arg2[%dma_start3A_204, %mul3A_203] : memref<2x131072xi32, #tpu.memory_space<hbm>> -> memref<1x2048xi32, #tpu.memory_space<hbm>>
        %dma_start3A_208 = tpu.memref_squeeze %dma_start3A_207 : memref<1x2048xi32, #tpu.memory_space<hbm>> -> memref<2048xi32, #tpu.memory_space<hbm>>
        %dma_start3A_209 = arith.constant 0 : i32
        %dma_start3A_210 = tpu.memref_slice %arg11[%dma_start3A_209] : memref<2064xi32, #tpu.memory_space<vmem>> -> memref<2048xi32, #tpu.memory_space<vmem>>
        %dma_start3A_211 = tpu.memref_slice %arg2[%dma_start3A_204, %mul3A_203] : memref<2x131072xi32, #tpu.memory_space<hbm>> -> memref<1x2048xi32, #tpu.memory_space<hbm>>
        %dma_start3A_212 = tpu.memref_squeeze %dma_start3A_211 : memref<1x2048xi32, #tpu.memory_space<hbm>> -> memref<2048xi32, #tpu.memory_space<hbm>>
        tpu.enqueue_dma source(%dma_start3A_212 : memref<2048xi32, #tpu.memory_space<hbm>>) target(%dma_start3A_210 : memref<2048xi32, #tpu.memory_space<vmem>>) target_semaphore(%arg17 : memref<!tpu.dma_semaphore, #tpu.memory_space<semaphore_mem>>)
        %dma_start3A_213 = arith.constant 0 : i32
        %dma_start3A_214 = tpu.memref_slice %arg3[%dma_start3A_213, %mul3A_203] : memref<2x131072xf32, #tpu.memory_space<hbm>> -> memref<1x2048xf32, #tpu.memory_space<hbm>>
        %dma_start3A_215 = tpu.memref_squeeze %dma_start3A_214 : memref<1x2048xf32, #tpu.memory_space<hbm>> -> memref<2048xf32, #tpu.memory_space<hbm>>
        %dma_start3A_216 = tpu.memref_slice %arg3[%dma_start3A_213, %mul3A_203] : memref<2x131072xf32, #tpu.memory_space<hbm>> -> memref<1x2048xf32, #tpu.memory_space<hbm>>
        %dma_start3A_217 = tpu.memref_squeeze %dma_start3A_216 : memref<1x2048xf32, #tpu.memory_space<hbm>> -> memref<2048xf32, #tpu.memory_space<hbm>>
        tpu.enqueue_dma source(%dma_start3A_217 : memref<2048xf32, #tpu.memory_space<hbm>>) target(%arg12 : memref<2048xf32, #tpu.memory_space<vmem>>) target_semaphore(%arg17 : memref<!tpu.dma_semaphore, #tpu.memory_space<semaphore_mem>>)
        %dma_start3A_218 = arith.constant 1 : i32
        %dma_start3A_219 = arith.constant 0 : i32
        %dma_start3A_220 = tpu.memref_slice %arg13[%dma_start3A_219] : memref<2064xi32, #tpu.memory_space<vmem>> -> memref<2048xi32, #tpu.memory_space<vmem>>
        %dma_start3A_221 = tpu.memref_slice %arg2[%dma_start3A_218, %mul3A_203] : memref<2x131072xi32, #tpu.memory_space<hbm>> -> memref<1x2048xi32, #tpu.memory_space<hbm>>
        %dma_start3A_222 = tpu.memref_squeeze %dma_start3A_221 : memref<1x2048xi32, #tpu.memory_space<hbm>> -> memref<2048xi32, #tpu.memory_space<hbm>>
        %dma_start3A_223 = arith.constant 0 : i32
        %dma_start3A_224 = tpu.memref_slice %arg13[%dma_start3A_223] : memref<2064xi32, #tpu.memory_space<vmem>> -> memref<2048xi32, #tpu.memory_space<vmem>>
        %dma_start3A_225 = tpu.memref_slice %arg2[%dma_start3A_218, %mul3A_203] : memref<2x131072xi32, #tpu.memory_space<hbm>> -> memref<1x2048xi32, #tpu.memory_space<hbm>>
        %dma_start3A_226 = tpu.memref_squeeze %dma_start3A_225 : memref<1x2048xi32, #tpu.memory_space<hbm>> -> memref<2048xi32, #tpu.memory_space<hbm>>
        tpu.enqueue_dma source(%dma_start3A_226 : memref<2048xi32, #tpu.memory_space<hbm>>) target(%dma_start3A_224 : memref<2048xi32, #tpu.memory_space<vmem>>) target_semaphore(%arg17 : memref<!tpu.dma_semaphore, #tpu.memory_space<semaphore_mem>>)
        %dma_start3A_227 = arith.constant 1 : i32
        %dma_start3A_228 = tpu.memref_slice %arg3[%dma_start3A_227, %mul3A_203] : memref<2x131072xf32, #tpu.memory_space<hbm>> -> memref<1x2048xf32, #tpu.memory_space<hbm>>
        %dma_start3A_229 = tpu.memref_squeeze %dma_start3A_228 : memref<1x2048xf32, #tpu.memory_space<hbm>> -> memref<2048xf32, #tpu.memory_space<hbm>>
        %dma_start3A_230 = tpu.memref_slice %arg3[%dma_start3A_227, %mul3A_203] : memref<2x131072xf32, #tpu.memory_space<hbm>> -> memref<1x2048xf32, #tpu.memory_space<hbm>>
        %dma_start3A_231 = tpu.memref_squeeze %dma_start3A_230 : memref<1x2048xf32, #tpu.memory_space<hbm>> -> memref<2048xf32, #tpu.memory_space<hbm>>
        tpu.enqueue_dma source(%dma_start3A_231 : memref<2048xf32, #tpu.memory_space<hbm>>) target(%arg14 : memref<2048xf32, #tpu.memory_space<vmem>>) target_semaphore(%arg17 : memref<!tpu.dma_semaphore, #tpu.memory_space<semaphore_mem>>)
      } else {
      }
      %get3A_119 = arith.index_cast %add3A_70 : i32 to index
      %get3A_120 = tpu.vector_load %arg16[%get3A_119] {strides = array<i32>} : memref<80xi32, #tpu.memory_space<vmem>>, vector<16xi32>,
      %slice3A_121 = vector.extract_strided_slice %get3A_120 {offsets = [0], sizes = [1], strides = [1]} : vector<16xi32> to vector<1xi32>
      %squeeze3A_122 = vector.extract %slice3A_121[0] : i32 from vector<1xi32>
      %lt3A_123 = arith.cmpi slt, %mul3A_0, %squeeze3A_122 : i32
      %convert_element_type3A_124 = arith.extui %lt3A_123 : i1 to i32
      %cond3A_125 = arith.constant 0 : i32
      %cond3A_126 = arith.cmpi ne, %convert_element_type3A_124, %cond3A_125 : i32
      scf.if %cond3A_126 {
        %parallel_loop3A = arith.constant 0 : i32
        %parallel_loop3A_197 = arith.constant 1024 : i32
        %parallel_loop3A_198 = arith.constant 1 : i32
        scf.for %parallel_loop3A_277 = %parallel_loop3A to %parallel_loop3A_197 step %parallel_loop3A_198  : i32 {
          %parallel_loop3A_278 = arith.constant 5 : i32
          %parallel_loop3A_279 = arith.shrui %parallel_loop3A_277, %parallel_loop3A_278 : i32
          %parallel_loop3A_280 = arith.constant 31 : i32
          %parallel_loop3A_281 = arith.andi %parallel_loop3A_277, %parallel_loop3A_280 : i32
          %parallel_loop3A_282 = arith.constant 16 : i32
          %parallel_loop3A_283 = arith.muli %parallel_loop3A_281, %parallel_loop3A_282 : i32
          %parallel_loop3A_284 = arith.index_cast %parallel_loop3A_279 : i32 to index
          %parallel_loop3A_285 = arith.index_cast %parallel_loop3A_283 : i32 to index
          %parallel_loop3A_286 = tpu.vector_load %arg10[%parallel_loop3A_284, %parallel_loop3A_285] {strides = array<i32>} : memref<32x512xf32, #tpu.memory_space<vmem>>, vector<16xf32>,
          tpu.vector_store %arg10[%parallel_loop3A_284, %parallel_loop3A_285], %broadcast_in_dim3A_2 {strides = array<i32>} : memref<32x512xf32, #tpu.memory_space<vmem>>, vector<16xf32>,
        } {sc.loop_unroll_factor = 8 : i64, sc.parallel_access}
        %mul3A_199 = arith.constant 262144 : i32
        %mul3A_200 = arith.muli %add3A_70, %mul3A_199 : i32
        %mul3A_201 = arith.constant 512 : i32
        %mul3A_202 = arith.muli %mul3A_0, %mul3A_201 : i32
        %add3A_203 = arith.addi %mul3A_200, %mul3A_202 : i32
        %min3A = arith.minsi %add3A_1, %squeeze3A_122 : i32
        %mul3A_204 = arith.constant 512 : i32
        %mul3A_205 = arith.muli %min3A, %mul3A_204 : i32
        %add3A_206 = arith.addi %mul3A_200, %mul3A_205 : i32
        %scan3A_207 = arith.constant 0 : i32
        %scan3A_208 = arith.constant 2048 : i32
        %scan3A_209 = arith.constant 0 : i32
        %scan3A_210 = arith.constant 11 : i32
        %scan3A_211 = arith.addi %scan3A_209, %scan3A_210 : i32
        %scan3A_212 = arith.constant 1 : i32
        %scan3A_213:2 = scf.for %scan3A_277 = %scan3A_209 to %scan3A_211 step %scan3A_212 iter_args(%scan3A_278 = %scan3A_207, %scan3A_279 = %scan3A_208) -> (i32, i32)  : i32 {
          %add3A_280 = arith.addi %scan3A_278, %scan3A_279 : i32
          %shift_right_logical3A_281 = arith.constant 1 : i32
          %shift_right_logical3A_282 = arith.shrui %add3A_280, %shift_right_logical3A_281 : i32
          %get3A_283 = arith.index_cast %shift_right_logical3A_282 : i32 to index
          %get3A_284 = tpu.vector_load %arg6[%get3A_283] {strides = array<i32>} : memref<2064xi32, #tpu.memory_space<vmem>>, vector<16xi32>,
          %slice3A_285 = vector.extract_strided_slice %get3A_284 {offsets = [0], sizes = [1], strides = [1]} : vector<16xi32> to vector<1xi32>
          %squeeze3A_286 = vector.extract %slice3A_285[0] : i32 from vector<1xi32>
          %lt3A_287 = arith.cmpi slt, %squeeze3A_286, %add3A_203 : i32
          %add3A_288 = arith.constant 1 : i32
          %add3A_289 = arith.addi %shift_right_logical3A_282, %add3A_288 : i32
          %select_n3A = arith.select %lt3A_287, %add3A_289, %scan3A_278 : i32
          %select_n3A_290 = arith.select %lt3A_287, %scan3A_279, %shift_right_logical3A_282 : i32
          scf.yield %select_n3A, %select_n3A_290 : i32, i32
        }
        %scan3A_214 = arith.constant 11 : i32
        %shift_right_logical3A = arith.constant 4 : i32
        %shift_right_logical3A_215 = arith.shrui %scan3A_213#0, %shift_right_logical3A : i32
        %scan3A_216 = arith.constant 0 : i32
        %scan3A_217 = arith.constant 2048 : i32
        %scan3A_218 = arith.constant 0 : i32
        %scan3A_219 = arith.constant 11 : i32
        %scan3A_220 = arith.addi %scan3A_218, %scan3A_219 : i32
        %scan3A_221 = arith.constant 1 : i32
        %scan3A_222:2 = scf.for %scan3A_277 = %scan3A_218 to %scan3A_220 step %scan3A_221 iter_args(%scan3A_278 = %scan3A_216, %scan3A_279 = %scan3A_217) -> (i32, i32)  : i32 {
          %add3A_280 = arith.addi %scan3A_278, %scan3A_279 : i32
          %shift_right_logical3A_281 = arith.constant 1 : i32
          %shift_right_logical3A_282 = arith.shrui %add3A_280, %shift_right_logical3A_281 : i32
          %get3A_283 = arith.index_cast %shift_right_logical3A_282 : i32 to index
          %get3A_284 = tpu.vector_load %arg6[%get3A_283] {strides = array<i32>} : memref<2064xi32, #tpu.memory_space<vmem>>, vector<16xi32>,
          %slice3A_285 = vector.extract_strided_slice %get3A_284 {offsets = [0], sizes = [1], strides = [1]} : vector<16xi32> to vector<1xi32>
          %squeeze3A_286 = vector.extract %slice3A_285[0] : i32 from vector<1xi32>
          %lt3A_287 = arith.cmpi slt, %squeeze3A_286, %add3A_206 : i32
          %add3A_288 = arith.constant 1 : i32
          %add3A_289 = arith.addi %shift_right_logical3A_282, %add3A_288 : i32
          %select_n3A = arith.select %lt3A_287, %add3A_289, %scan3A_278 : i32
          %select_n3A_290 = arith.select %lt3A_287, %scan3A_279, %shift_right_logical3A_282 : i32
          scf.yield %select_n3A, %select_n3A_290 : i32, i32
        }
        %scan3A_223 = arith.constant 11 : i32
        %add3A_224 = arith.constant 16 : i32
        %add3A_225 = arith.addi %scan3A_222#0, %add3A_224 : i32
        %sub3A_226 = arith.constant 1 : i32
        %sub3A_227 = arith.subi %add3A_225, %sub3A_226 : i32
        %shift_right_logical3A_228 = arith.constant 4 : i32
        %shift_right_logical3A_229 = arith.shrui %sub3A_227, %shift_right_logical3A_228 : i32
        %while3A = arith.constant 0 : i32
        %while3A_230 = arith.subi %shift_right_logical3A_229, %shift_right_logical3A_215 : i32
        %while3A_231 = arith.addi %shift_right_logical3A_215, %while3A_230 : i32
        %while3A_232 = arith.constant 1 : i32
        %while3A_233 = arith.divsi %while3A_230, %while3A_232 : i32
        %while3A_234 = arith.muli %while3A_233, %while3A_232 : i32
        %while3A_235 = arith.addi %shift_right_logical3A_215, %while3A_234 : i32
        %while3A_236 = arith.constant 1 : i32
        scf.for %while3A_277 = %shift_right_logical3A_215 to %while3A_235 step %while3A_236  : i32 {
          %mul3A_278 = arith.constant 16 : i32
          %mul3A_279 = arith.muli %while3A_277, %mul3A_278 : i32
          %get3A_280 = arith.index_cast %mul3A_279 : i32 to index
          %get3A_281 = tpu.vector_load %arg6[%get3A_280] {strides = array<i32>} : memref<2064xi32, #tpu.memory_space<vmem>>, vector<16xi32>,
          %mul3A_282 = arith.constant 16 : i32
          %mul3A_283 = arith.muli %while3A_277, %mul3A_282 : i32
          %add3A_284 = arith.constant 1 : i32
          %add3A_285 = arith.addi %mul3A_283, %add3A_284 : i32
          %get3A_286 = arith.index_cast %add3A_285 : i32 to index
          %get3A_287 = tpu.vector_load %arg6[%get3A_286] {strides = array<i32>} : memref<2064xi32, #tpu.memory_space<vmem>>, vector<16xi32>,
          %mul3A_288 = arith.constant 16 : i32
          %mul3A_289 = arith.muli %while3A_277, %mul3A_288 : i32
          %get3A_290 = arith.index_cast %mul3A_289 : i32 to index
          %get3A_291 = tpu.vector_load %arg7[%get3A_290] {strides = array<i32>} : memref<2048xf32, #tpu.memory_space<vmem>>, vector<16xf32>,
          %shift_right_logical3A_292 = arith.constant 9 : i32
          %shift_right_logical3A_293 = vector.broadcast %shift_right_logical3A_292 : i32 to vector<16xi32>
          %shift_right_logical3A_294 = arith.shrui %get3A_281, %shift_right_logical3A_293 : vector<16xi32>
          %and3A_295 = arith.constant 511 : i32
          %and3A_296 = vector.broadcast %and3A_295 : i32 to vector<16xi32>
          %and3A_297 = arith.andi %shift_right_logical3A_294, %and3A_296 : vector<16xi32>
          %and3A_298 = arith.constant 511 : i32
          %and3A_299 = vector.broadcast %and3A_298 : i32 to vector<16xi32>
          %and3A_300 = arith.andi %get3A_281, %and3A_299 : vector<16xi32>
          %ge3A_301 = vector.broadcast %add3A_203 : i32 to vector<16xi32>
          %ge3A_302 = arith.cmpi sge, %get3A_281, %ge3A_301 : vector<16xi32>
          %lt3A_303 = vector.broadcast %add3A_206 : i32 to vector<16xi32>
          %lt3A_304 = arith.cmpi slt, %get3A_281, %lt3A_303 : vector<16xi32>
          %and3A_305 = arith.andi %ge3A_302, %lt3A_304 : vector<16xi1>
          %ne3A = arith.cmpi ne, %get3A_281, %get3A_287 : vector<16xi32>
          %and3A_306 = arith.andi %and3A_305, %ne3A : vector<16xi1>
          %sub3A_307 = vector.broadcast %mul3A_0 : i32 to vector<16xi32>
          %sub3A_308 = arith.subi %and3A_297, %sub3A_307 : vector<16xi32>
          tpu.vector_store_idx %arg10[%sub3A_308, %and3A_300], %get3A_291 masked %and3A_306 : memref<32x512xf32, #tpu.memory_space<vmem>>[vector<16xi32>, vector<16xi32>], vector<16xf32>, vector<16xi1>
        }
        %while3A_237 = arith.constant 1 : i32
        scf.for %while3A_277 = %while3A_235 to %while3A_231 step %while3A_237  : i32 {
          %mul3A_278 = arith.constant 16 : i32
          %mul3A_279 = arith.muli %while3A_277, %mul3A_278 : i32
          %get3A_280 = arith.index_cast %mul3A_279 : i32 to index
          %get3A_281 = tpu.vector_load %arg6[%get3A_280] {strides = array<i32>} : memref<2064xi32, #tpu.memory_space<vmem>>, vector<16xi32>,
          %mul3A_282 = arith.constant 16 : i32
          %mul3A_283 = arith.muli %while3A_277, %mul3A_282 : i32
          %add3A_284 = arith.constant 1 : i32
          %add3A_285 = arith.addi %mul3A_283, %add3A_284 : i32
          %get3A_286 = arith.index_cast %add3A_285 : i32 to index
          %get3A_287 = tpu.vector_load %arg6[%get3A_286] {strides = array<i32>} : memref<2064xi32, #tpu.memory_space<vmem>>, vector<16xi32>,
          %mul3A_288 = arith.constant 16 : i32
          %mul3A_289 = arith.muli %while3A_277, %mul3A_288 : i32
          %get3A_290 = arith.index_cast %mul3A_289 : i32 to index
          %get3A_291 = tpu.vector_load %arg7[%get3A_290] {strides = array<i32>} : memref<2048xf32, #tpu.memory_space<vmem>>, vector<16xf32>,
          %shift_right_logical3A_292 = arith.constant 9 : i32
          %shift_right_logical3A_293 = vector.broadcast %shift_right_logical3A_292 : i32 to vector<16xi32>
          %shift_right_logical3A_294 = arith.shrui %get3A_281, %shift_right_logical3A_293 : vector<16xi32>
          %and3A_295 = arith.constant 511 : i32
          %and3A_296 = vector.broadcast %and3A_295 : i32 to vector<16xi32>
          %and3A_297 = arith.andi %shift_right_logical3A_294, %and3A_296 : vector<16xi32>
          %and3A_298 = arith.constant 511 : i32
          %and3A_299 = vector.broadcast %and3A_298 : i32 to vector<16xi32>
          %and3A_300 = arith.andi %get3A_281, %and3A_299 : vector<16xi32>
          %ge3A_301 = vector.broadcast %add3A_203 : i32 to vector<16xi32>
          %ge3A_302 = arith.cmpi sge, %get3A_281, %ge3A_301 : vector<16xi32>
          %lt3A_303 = vector.broadcast %add3A_206 : i32 to vector<16xi32>
          %lt3A_304 = arith.cmpi slt, %get3A_281, %lt3A_303 : vector<16xi32>
          %and3A_305 = arith.andi %ge3A_302, %lt3A_304 : vector<16xi1>
          %ne3A = arith.cmpi ne, %get3A_281, %get3A_287 : vector<16xi32>
          %and3A_306 = arith.andi %and3A_305, %ne3A : vector<16xi1>
          %sub3A_307 = vector.broadcast %mul3A_0 : i32 to vector<16xi32>
          %sub3A_308 = arith.subi %and3A_297, %sub3A_307 : vector<16xi32>
          tpu.vector_store_idx %arg10[%sub3A_308, %and3A_300], %get3A_291 masked %and3A_306 : memref<32x512xf32, #tpu.memory_space<vmem>>[vector<16xi32>, vector<16xi32>], vector<16xf32>, vector<16xi1>
        }
        %scan3A_238 = arith.constant 0 : i32
        %scan3A_239 = arith.constant 2048 : i32
        %scan3A_240 = arith.constant 0 : i32
        %scan3A_241 = arith.constant 11 : i32
        %scan3A_242 = arith.addi %scan3A_240, %scan3A_241 : i32
        %scan3A_243 = arith.constant 1 : i32
        %scan3A_244:2 = scf.for %scan3A_277 = %scan3A_240 to %scan3A_242 step %scan3A_243 iter_args(%scan3A_278 = %scan3A_238, %scan3A_279 = %scan3A_239) -> (i32, i32)  : i32 {
          %add3A_280 = arith.addi %scan3A_278, %scan3A_279 : i32
          %shift_right_logical3A_281 = arith.constant 1 : i32
          %shift_right_logical3A_282 = arith.shrui %add3A_280, %shift_right_logical3A_281 : i32
          %get3A_283 = arith.index_cast %shift_right_logical3A_282 : i32 to index
          %get3A_284 = tpu.vector_load %arg8[%get3A_283] {strides = array<i32>} : memref<2064xi32, #tpu.memory_space<vmem>>, vector<16xi32>,
          %slice3A_285 = vector.extract_strided_slice %get3A_284 {offsets = [0], sizes = [1], strides = [1]} : vector<16xi32> to vector<1xi32>
          %squeeze3A_286 = vector.extract %slice3A_285[0] : i32 from vector<1xi32>
          %lt3A_287 = arith.cmpi slt, %squeeze3A_286, %add3A_203 : i32
          %add3A_288 = arith.constant 1 : i32
          %add3A_289 = arith.addi %shift_right_logical3A_282, %add3A_288 : i32
          %select_n3A = arith.select %lt3A_287, %add3A_289, %scan3A_278 : i32
          %select_n3A_290 = arith.select %lt3A_287, %scan3A_279, %shift_right_logical3A_282 : i32
          scf.yield %select_n3A, %select_n3A_290 : i32, i32
        }
        %scan3A_245 = arith.constant 11 : i32
        %shift_right_logical3A_246 = arith.constant 4 : i32
        %shift_right_logical3A_247 = arith.shrui %scan3A_244#0, %shift_right_logical3A_246 : i32
        %scan3A_248 = arith.constant 0 : i32
        %scan3A_249 = arith.constant 2048 : i32
        %scan3A_250 = arith.constant 0 : i32
        %scan3A_251 = arith.constant 11 : i32
        %scan3A_252 = arith.addi %scan3A_250, %scan3A_251 : i32
        %scan3A_253 = arith.constant 1 : i32
        %scan3A_254:2 = scf.for %scan3A_277 = %scan3A_250 to %scan3A_252 step %scan3A_253 iter_args(%scan3A_278 = %scan3A_248, %scan3A_279 = %scan3A_249) -> (i32, i32)  : i32 {
          %add3A_280 = arith.addi %scan3A_278, %scan3A_279 : i32
          %shift_right_logical3A_281 = arith.constant 1 : i32
          %shift_right_logical3A_282 = arith.shrui %add3A_280, %shift_right_logical3A_281 : i32
          %get3A_283 = arith.index_cast %shift_right_logical3A_282 : i32 to index
          %get3A_284 = tpu.vector_load %arg8[%get3A_283] {strides = array<i32>} : memref<2064xi32, #tpu.memory_space<vmem>>, vector<16xi32>,
          %slice3A_285 = vector.extract_strided_slice %get3A_284 {offsets = [0], sizes = [1], strides = [1]} : vector<16xi32> to vector<1xi32>
          %squeeze3A_286 = vector.extract %slice3A_285[0] : i32 from vector<1xi32>
          %lt3A_287 = arith.cmpi slt, %squeeze3A_286, %add3A_206 : i32
          %add3A_288 = arith.constant 1 : i32
          %add3A_289 = arith.addi %shift_right_logical3A_282, %add3A_288 : i32
          %select_n3A = arith.select %lt3A_287, %add3A_289, %scan3A_278 : i32
          %select_n3A_290 = arith.select %lt3A_287, %scan3A_279, %shift_right_logical3A_282 : i32
          scf.yield %select_n3A, %select_n3A_290 : i32, i32
        }
        %scan3A_255 = arith.constant 11 : i32
        %add3A_256 = arith.constant 16 : i32
        %add3A_257 = arith.addi %scan3A_254#0, %add3A_256 : i32
        %sub3A_258 = arith.constant 1 : i32
        %sub3A_259 = arith.subi %add3A_257, %sub3A_258 : i32
        %shift_right_logical3A_260 = arith.constant 4 : i32
        %shift_right_logical3A_261 = arith.shrui %sub3A_259, %shift_right_logical3A_260 : i32
        %while3A_262 = arith.constant 0 : i32
        %while3A_263 = arith.subi %shift_right_logical3A_261, %shift_right_logical3A_247 : i32
        %while3A_264 = arith.addi %shift_right_logical3A_247, %while3A_263 : i32
        %while3A_265 = arith.constant 1 : i32
        %while3A_266 = arith.divsi %while3A_263, %while3A_265 : i32
        %while3A_267 = arith.muli %while3A_266, %while3A_265 : i32
        %while3A_268 = arith.addi %shift_right_logical3A_247, %while3A_267 : i32
        %while3A_269 = arith.constant 1 : i32
        scf.for %while3A_277 = %shift_right_logical3A_247 to %while3A_268 step %while3A_269  : i32 {
          %mul3A_278 = arith.constant 16 : i32
          %mul3A_279 = arith.muli %while3A_277, %mul3A_278 : i32
          %get3A_280 = arith.index_cast %mul3A_279 : i32 to index
          %get3A_281 = tpu.vector_load %arg8[%get3A_280] {strides = array<i32>} : memref<2064xi32, #tpu.memory_space<vmem>>, vector<16xi32>,
          %mul3A_282 = arith.constant 16 : i32
          %mul3A_283 = arith.muli %while3A_277, %mul3A_282 : i32
          %add3A_284 = arith.constant 1 : i32
          %add3A_285 = arith.addi %mul3A_283, %add3A_284 : i32
          %get3A_286 = arith.index_cast %add3A_285 : i32 to index
          %get3A_287 = tpu.vector_load %arg8[%get3A_286] {strides = array<i32>} : memref<2064xi32, #tpu.memory_space<vmem>>, vector<16xi32>,
          %mul3A_288 = arith.constant 16 : i32
          %mul3A_289 = arith.muli %while3A_277, %mul3A_288 : i32
          %get3A_290 = arith.index_cast %mul3A_289 : i32 to index
          %get3A_291 = tpu.vector_load %arg9[%get3A_290] {strides = array<i32>} : memref<2048xf32, #tpu.memory_space<vmem>>, vector<16xf32>,
          %shift_right_logical3A_292 = arith.constant 9 : i32
          %shift_right_logical3A_293 = vector.broadcast %shift_right_logical3A_292 : i32 to vector<16xi32>
          %shift_right_logical3A_294 = arith.shrui %get3A_281, %shift_right_logical3A_293 : vector<16xi32>
          %and3A_295 = arith.constant 511 : i32
          %and3A_296 = vector.broadcast %and3A_295 : i32 to vector<16xi32>
          %and3A_297 = arith.andi %shift_right_logical3A_294, %and3A_296 : vector<16xi32>
          %and3A_298 = arith.constant 511 : i32
          %and3A_299 = vector.broadcast %and3A_298 : i32 to vector<16xi32>
          %and3A_300 = arith.andi %get3A_281, %and3A_299 : vector<16xi32>
          %ge3A_301 = vector.broadcast %add3A_203 : i32 to vector<16xi32>
          %ge3A_302 = arith.cmpi sge, %get3A_281, %ge3A_301 : vector<16xi32>
          %lt3A_303 = vector.broadcast %add3A_206 : i32 to vector<16xi32>
          %lt3A_304 = arith.cmpi slt, %get3A_281, %lt3A_303 : vector<16xi32>
          %and3A_305 = arith.andi %ge3A_302, %lt3A_304 : vector<16xi1>
          %ne3A = arith.cmpi ne, %get3A_281, %get3A_287 : vector<16xi32>
          %and3A_306 = arith.andi %and3A_305, %ne3A : vector<16xi1>
          %sub3A_307 = vector.broadcast %mul3A_0 : i32 to vector<16xi32>
          %sub3A_308 = arith.subi %and3A_297, %sub3A_307 : vector<16xi32>
          tpu.vector_store_idx %arg10[%sub3A_308, %and3A_300], %get3A_291 masked %and3A_306 : memref<32x512xf32, #tpu.memory_space<vmem>>[vector<16xi32>, vector<16xi32>], vector<16xf32>, vector<16xi1>
        }
        %while3A_270 = arith.constant 1 : i32
        scf.for %while3A_277 = %while3A_268 to %while3A_264 step %while3A_270  : i32 {
          %mul3A_278 = arith.constant 16 : i32
          %mul3A_279 = arith.muli %while3A_277, %mul3A_278 : i32
          %get3A_280 = arith.index_cast %mul3A_279 : i32 to index
          %get3A_281 = tpu.vector_load %arg8[%get3A_280] {strides = array<i32>} : memref<2064xi32, #tpu.memory_space<vmem>>, vector<16xi32>,
          %mul3A_282 = arith.constant 16 : i32
          %mul3A_283 = arith.muli %while3A_277, %mul3A_282 : i32
          %add3A_284 = arith.constant 1 : i32
          %add3A_285 = arith.addi %mul3A_283, %add3A_284 : i32
          %get3A_286 = arith.index_cast %add3A_285 : i32 to index
          %get3A_287 = tpu.vector_load %arg8[%get3A_286] {strides = array<i32>} : memref<2064xi32, #tpu.memory_space<vmem>>, vector<16xi32>,
          %mul3A_288 = arith.constant 16 : i32
          %mul3A_289 = arith.muli %while3A_277, %mul3A_288 : i32
          %get3A_290 = arith.index_cast %mul3A_289 : i32 to index
          %get3A_291 = tpu.vector_load %arg9[%get3A_290] {strides = array<i32>} : memref<2048xf32, #tpu.memory_space<vmem>>, vector<16xf32>,
          %shift_right_logical3A_292 = arith.constant 9 : i32
          %shift_right_logical3A_293 = vector.broadcast %shift_right_logical3A_292 : i32 to vector<16xi32>
          %shift_right_logical3A_294 = arith.shrui %get3A_281, %shift_right_logical3A_293 : vector<16xi32>
          %and3A_295 = arith.constant 511 : i32
          %and3A_296 = vector.broadcast %and3A_295 : i32 to vector<16xi32>
          %and3A_297 = arith.andi %shift_right_logical3A_294, %and3A_296 : vector<16xi32>
          %and3A_298 = arith.constant 511 : i32
          %and3A_299 = vector.broadcast %and3A_298 : i32 to vector<16xi32>
          %and3A_300 = arith.andi %get3A_281, %and3A_299 : vector<16xi32>
          %ge3A_301 = vector.broadcast %add3A_203 : i32 to vector<16xi32>
          %ge3A_302 = arith.cmpi sge, %get3A_281, %ge3A_301 : vector<16xi32>
          %lt3A_303 = vector.broadcast %add3A_206 : i32 to vector<16xi32>
          %lt3A_304 = arith.cmpi slt, %get3A_281, %lt3A_303 : vector<16xi32>
          %and3A_305 = arith.andi %ge3A_302, %lt3A_304 : vector<16xi1>
          %ne3A = arith.cmpi ne, %get3A_281, %get3A_287 : vector<16xi32>
          %and3A_306 = arith.andi %and3A_305, %ne3A : vector<16xi1>
          %sub3A_307 = vector.broadcast %mul3A_0 : i32 to vector<16xi32>
          %sub3A_308 = arith.subi %and3A_297, %sub3A_307 : vector<16xi32>
          tpu.vector_store_idx %arg10[%sub3A_308, %and3A_300], %get3A_291 masked %and3A_306 : memref<32x512xf32, #tpu.memory_space<vmem>>[vector<16xi32>, vector<16xi32>], vector<16xf32>, vector<16xi1>
        }
        %dma_start3A_271 = arith.constant 0 : i32
        %dma_start3A_272 = tpu.memref_slice %arg5[%add3A_70, %mul3A_0, %dma_start3A_271] : memref<64x512x512xf32, #tpu.memory_space<hbm>> -> memref<1x32x512xf32, #tpu.memory_space<hbm>>
        %dma_start3A_273 = tpu.memref_squeeze %dma_start3A_272 : memref<1x32x512xf32, #tpu.memory_space<hbm>> -> memref<32x512xf32, #tpu.memory_space<hbm>>
        %dma_start3A_274 = arith.constant 0 : i32
        %dma_start3A_275 = tpu.memref_slice %arg5[%add3A_70, %mul3A_0, %dma_start3A_274] : memref<64x512x512xf32, #tpu.memory_space<hbm>> -> memref<1x32x512xf32, #tpu.memory_space<hbm>>
        %dma_start3A_276 = tpu.memref_squeeze %dma_start3A_275 : memref<1x32x512xf32, #tpu.memory_space<hbm>> -> memref<32x512xf32, #tpu.memory_space<hbm>>
        tpu.enqueue_dma source(%arg10 : memref<32x512xf32, #tpu.memory_space<vmem>>) target(%dma_start3A_276 : memref<32x512xf32, #tpu.memory_space<hbm>>) target_semaphore(%arg18 : memref<!tpu.dma_semaphore, #tpu.memory_space<semaphore_mem>>)
      } else {
      }
      %add3A_127 = arith.constant 1 : i32
      %add3A_128 = arith.addi %mul3A_63, %add3A_127 : i32
      %add3A_129 = arith.constant 2 : i32
      %add3A_130 = arith.addi %mul3A_63, %add3A_129 : i32
      %lt3A_131 = arith.constant 32 : i32
      %lt3A_132 = arith.cmpi slt, %add3A_130, %lt3A_131 : i32
      %mul3A_133 = arith.constant 32 : i32
      %mul3A_134 = arith.muli %arg0, %mul3A_133 : i32
      %add3A_135 = arith.addi %mul3A_134, %add3A_128 : i32
      %ge3A_136 = arith.constant 2 : i32
      %ge3A_137 = arith.cmpi sge, %add3A_128, %ge3A_136 : i32
      %sub3A_138 = arith.constant 2 : i32
      %sub3A_139 = arith.subi %add3A_135, %sub3A_138 : i32
      %get3A_140 = arith.index_cast %sub3A_139 : i32 to index
      %get3A_141 = tpu.vector_load %arg16[%get3A_140] {strides = array<i32>} : memref<80xi32, #tpu.memory_space<vmem>>, vector<16xi32>,
      %slice3A_142 = vector.extract_strided_slice %get3A_141 {offsets = [0], sizes = [1], strides = [1]} : vector<16xi32> to vector<1xi32>
      %squeeze3A_143 = vector.extract %slice3A_142[0] : i32 from vector<1xi32>
      %lt3A_144 = arith.cmpi slt, %mul3A_0, %squeeze3A_143 : i32
      %and3A_145 = arith.andi %ge3A_137, %lt3A_144 : i1
      %convert_element_type3A_146 = arith.extui %and3A_145 : i1 to i32
      %cond3A_147 = arith.constant 0 : i32
      %cond3A_148 = arith.cmpi ne, %convert_element_type3A_146, %cond3A_147 : i32
      scf.if %cond3A_148 {
        %sub3A_197 = arith.constant 2 : i32
        %sub3A_198 = arith.subi %add3A_135, %sub3A_197 : i32
        %dma_wait3A_199 = arith.constant 0 : i32
        %dma_wait3A_200 = tpu.memref_slice %arg5[%sub3A_198, %mul3A_0, %dma_wait3A_199] : memref<64x512x512xf32, #tpu.memory_space<hbm>> -> memref<1x32x512xf32, #tpu.memory_space<hbm>>
        %dma_wait3A_201 = tpu.memref_squeeze %dma_wait3A_200 : memref<1x32x512xf32, #tpu.memory_space<hbm>> -> memref<32x512xf32, #tpu.memory_space<hbm>>
        %dma_wait3A_202 = arith.constant 0 : i32
        %dma_wait3A_203 = tpu.memref_slice %arg5[%sub3A_198, %mul3A_0, %dma_wait3A_202] : memref<64x512x512xf32, #tpu.memory_space<hbm>> -> memref<1x32x512xf32, #tpu.memory_space<hbm>>
        %dma_wait3A_204 = tpu.memref_squeeze %dma_wait3A_203 : memref<1x32x512xf32, #tpu.memory_space<hbm>> -> memref<32x512xf32, #tpu.memory_space<hbm>>
        tpu.wait_dma2 semaphore(%arg19 : memref<!tpu.dma_semaphore, #tpu.memory_space<semaphore_mem>>) src(%arg15 : memref<32x512xf32, #tpu.memory_space<vmem>>) dst(%dma_wait3A_204 : memref<32x512xf32, #tpu.memory_space<hbm>>)
      } else {
      }
      %mul3A_149 = arith.constant 32 : i32
      %mul3A_150 = arith.muli %arg0, %mul3A_149 : i32
      %add3A_151 = arith.addi %mul3A_150, %add3A_128 : i32
      %mul3A_152 = arith.constant 2048 : i32
      %mul3A_153 = arith.muli %add3A_151, %mul3A_152 : i32
      %dma_wait3A_154 = arith.constant 0 : i32
      %dma_wait3A_155 = arith.constant 0 : i32
      %dma_wait3A_156 = tpu.memref_slice %arg11[%dma_wait3A_155] : memref<2064xi32, #tpu.memory_space<vmem>> -> memref<2048xi32, #tpu.memory_space<vmem>>
      %dma_wait3A_157 = tpu.memref_slice %arg2[%dma_wait3A_154, %mul3A_153] : memref<2x131072xi32, #tpu.memory_space<hbm>> -> memref<1x2048xi32, #tpu.memory_space<hbm>>
      %dma_wait3A_158 = tpu.memref_squeeze %dma_wait3A_157 : memref<1x2048xi32, #tpu.memory_space<hbm>> -> memref<2048xi32, #tpu.memory_space<hbm>>
      %dma_wait3A_159 = arith.constant 0 : i32
      %dma_wait3A_160 = tpu.memref_slice %arg11[%dma_wait3A_159] : memref<2064xi32, #tpu.memory_space<vmem>> -> memref<2048xi32, #tpu.memory_space<vmem>>
      %dma_wait3A_161 = tpu.memref_slice %arg2[%dma_wait3A_154, %mul3A_153] : memref<2x131072xi32, #tpu.memory_space<hbm>> -> memref<1x2048xi32, #tpu.memory_space<hbm>>
      %dma_wait3A_162 = tpu.memref_squeeze %dma_wait3A_161 : memref<1x2048xi32, #tpu.memory_space<hbm>> -> memref<2048xi32, #tpu.memory_space<hbm>>
      tpu.wait_dma2 semaphore(%arg17 : memref<!tpu.dma_semaphore, #tpu.memory_space<semaphore_mem>>) src(%dma_wait3A_162 : memref<2048xi32, #tpu.memory_space<hbm>>) dst(%dma_wait3A_160 : memref<2048xi32, #tpu.memory_space<vmem>>)
      %dma_wait3A_163 = arith.constant 0 : i32
      %dma_wait3A_164 = tpu.memref_slice %arg3[%dma_wait3A_163, %mul3A_153] : memref<2x131072xf32, #tpu.memory_space<hbm>> -> memref<1x2048xf32, #tpu.memory_space<hbm>>
      %dma_wait3A_165 = tpu.memref_squeeze %dma_wait3A_164 : memref<1x2048xf32, #tpu.memory_space<hbm>> -> memref<2048xf32, #tpu.memory_space<hbm>>
      %dma_wait3A_166 = tpu.memref_slice %arg3[%dma_wait3A_163, %mul3A_153] : memref<2x131072xf32, #tpu.memory_space<hbm>> -> memref<1x2048xf32, #tpu.memory_space<hbm>>
      %dma_wait3A_167 = tpu.memref_squeeze %dma_wait3A_166 : memref<1x2048xf32, #tpu.memory_space<hbm>> -> memref<2048xf32, #tpu.memory_space<hbm>>
      tpu.wait_dma2 semaphore(%arg17 : memref<!tpu.dma_semaphore, #tpu.memory_space<semaphore_mem>>) src(%dma_wait3A_167 : memref<2048xf32, #tpu.memory_space<hbm>>) dst(%arg12 : memref<2048xf32, #tpu.memory_space<vmem>>)
      %dma_wait3A_168 = arith.constant 1 : i32
      %dma_wait3A_169 = arith.constant 0 : i32
      %dma_wait3A_170 = tpu.memref_slice %arg13[%dma_wait3A_169] : memref<2064xi32, #tpu.memory_space<vmem>> -> memref<2048xi32, #tpu.memory_space<vmem>>
      %dma_wait3A_171 = tpu.memref_slice %arg2[%dma_wait3A_168, %mul3A_153] : memref<2x131072xi32, #tpu.memory_space<hbm>> -> memref<1x2048xi32, #tpu.memory_space<hbm>>
      %dma_wait3A_172 = tpu.memref_squeeze %dma_wait3A_171 : memref<1x2048xi32, #tpu.memory_space<hbm>> -> memref<2048xi32, #tpu.memory_space<hbm>>
      %dma_wait3A_173 = arith.constant 0 : i32
      %dma_wait3A_174 = tpu.memref_slice %arg13[%dma_wait3A_173] : memref<2064xi32, #tpu.memory_space<vmem>> -> memref<2048xi32, #tpu.memory_space<vmem>>
      %dma_wait3A_175 = tpu.memref_slice %arg2[%dma_wait3A_168, %mul3A_153] : memref<2x131072xi32, #tpu.memory_space<hbm>> -> memref<1x2048xi32, #tpu.memory_space<hbm>>
      %dma_wait3A_176 = tpu.memref_squeeze %dma_wait3A_175 : memref<1x2048xi32, #tpu.memory_space<hbm>> -> memref<2048xi32, #tpu.memory_space<hbm>>
      tpu.wait_dma2 semaphore(%arg17 : memref<!tpu.dma_semaphore, #tpu.memory_space<semaphore_mem>>) src(%dma_wait3A_176 : memref<2048xi32, #tpu.memory_space<hbm>>) dst(%dma_wait3A_174 : memref<2048xi32, #tpu.memory_space<vmem>>)
      %dma_wait3A_177 = arith.constant 1 : i32
      %dma_wait3A_178 = tpu.memref_slice %arg3[%dma_wait3A_177, %mul3A_153] : memref<2x131072xf32, #tpu.memory_space<hbm>> -> memref<1x2048xf32, #tpu.memory_space<hbm>>
      %dma_wait3A_179 = tpu.memref_squeeze %dma_wait3A_178 : memref<1x2048xf32, #tpu.memory_space<hbm>> -> memref<2048xf32, #tpu.memory_space<hbm>>
      %dma_wait3A_180 = tpu.memref_slice %arg3[%dma_wait3A_177, %mul3A_153] : memref<2x131072xf32, #tpu.memory_space<hbm>> -> memref<1x2048xf32, #tpu.memory_space<hbm>>
      %dma_wait3A_181 = tpu.memref_squeeze %dma_wait3A_180 : memref<1x2048xf32, #tpu.memory_space<hbm>> -> memref<2048xf32, #tpu.memory_space<hbm>>
      tpu.wait_dma2 semaphore(%arg17 : memref<!tpu.dma_semaphore, #tpu.memory_space<semaphore_mem>>) src(%dma_wait3A_181 : memref<2048xf32, #tpu.memory_space<hbm>>) dst(%arg14 : memref<2048xf32, #tpu.memory_space<vmem>>)
      %swap3A_182 = arith.constant 2048 : index
      %swap3A_183 = tpu.vector_load %arg11[%swap3A_182] {strides = array<i32>} : memref<2064xi32, #tpu.memory_space<vmem>>, vector<16xi32>,
      tpu.vector_store %arg11[%swap3A_182], %broadcast_in_dim3A_4 {strides = array<i32>} : memref<2064xi32, #tpu.memory_space<vmem>>, vector<16xi32>,
      %swap3A_184 = arith.constant 2048 : index
      %swap3A_185 = tpu.vector_load %arg13[%swap3A_184] {strides = array<i32>} : memref<2064xi32, #tpu.memory_space<vmem>>, vector<16xi32>,
      tpu.vector_store %arg13[%swap3A_184], %broadcast_in_dim3A_4 {strides = array<i32>} : memref<2064xi32, #tpu.memory_space<vmem>>, vector<16xi32>,
      %convert_element_type3A_186 = arith.extui %lt3A_132 : i1 to i32
      %cond3A_187 = arith.constant 0 : i32
      %cond3A_188 = arith.cmpi ne, %convert_element_type3A_186, %cond3A_187 : i32
      scf.if %cond3A_188 {
        %add3A_197 = arith.constant 1 : i32
        %add3A_198 = arith.addi %add3A_128, %add3A_197 : i32
        %mul3A_199 = arith.constant 32 : i32
        %mul3A_200 = arith.muli %arg0, %mul3A_199 : i32
        %add3A_201 = arith.addi %mul3A_200, %add3A_198 : i32
        %mul3A_202 = arith.constant 2048 : i32
        %mul3A_203 = arith.muli %add3A_201, %mul3A_202 : i32
        %dma_start3A_204 = arith.constant 0 : i32
        %dma_start3A_205 = arith.constant 0 : i32
        %dma_start3A_206 = tpu.memref_slice %arg6[%dma_start3A_205] : memref<2064xi32, #tpu.memory_space<vmem>> -> memref<2048xi32, #tpu.memory_space<vmem>>
        %dma_start3A_207 = tpu.memref_slice %arg2[%dma_start3A_204, %mul3A_203] : memref<2x131072xi32, #tpu.memory_space<hbm>> -> memref<1x2048xi32, #tpu.memory_space<hbm>>
        %dma_start3A_208 = tpu.memref_squeeze %dma_start3A_207 : memref<1x2048xi32, #tpu.memory_space<hbm>> -> memref<2048xi32, #tpu.memory_space<hbm>>
        %dma_start3A_209 = arith.constant 0 : i32
        %dma_start3A_210 = tpu.memref_slice %arg6[%dma_start3A_209] : memref<2064xi32, #tpu.memory_space<vmem>> -> memref<2048xi32, #tpu.memory_space<vmem>>
        %dma_start3A_211 = tpu.memref_slice %arg2[%dma_start3A_204, %mul3A_203] : memref<2x131072xi32, #tpu.memory_space<hbm>> -> memref<1x2048xi32, #tpu.memory_space<hbm>>
        %dma_start3A_212 = tpu.memref_squeeze %dma_start3A_211 : memref<1x2048xi32, #tpu.memory_space<hbm>> -> memref<2048xi32, #tpu.memory_space<hbm>>
        tpu.enqueue_dma source(%dma_start3A_212 : memref<2048xi32, #tpu.memory_space<hbm>>) target(%dma_start3A_210 : memref<2048xi32, #tpu.memory_space<vmem>>) target_semaphore(%arg17 : memref<!tpu.dma_semaphore, #tpu.memory_space<semaphore_mem>>)
        %dma_start3A_213 = arith.constant 0 : i32
        %dma_start3A_214 = tpu.memref_slice %arg3[%dma_start3A_213, %mul3A_203] : memref<2x131072xf32, #tpu.memory_space<hbm>> -> memref<1x2048xf32, #tpu.memory_space<hbm>>
        %dma_start3A_215 = tpu.memref_squeeze %dma_start3A_214 : memref<1x2048xf32, #tpu.memory_space<hbm>> -> memref<2048xf32, #tpu.memory_space<hbm>>
        %dma_start3A_216 = tpu.memref_slice %arg3[%dma_start3A_213, %mul3A_203] : memref<2x131072xf32, #tpu.memory_space<hbm>> -> memref<1x2048xf32, #tpu.memory_space<hbm>>
        %dma_start3A_217 = tpu.memref_squeeze %dma_start3A_216 : memref<1x2048xf32, #tpu.memory_space<hbm>> -> memref<2048xf32, #tpu.memory_space<hbm>>
        tpu.enqueue_dma source(%dma_start3A_217 : memref<2048xf32, #tpu.memory_space<hbm>>) target(%arg7 : memref<2048xf32, #tpu.memory_space<vmem>>) target_semaphore(%arg17 : memref<!tpu.dma_semaphore, #tpu.memory_space<semaphore_mem>>)
        %dma_start3A_218 = arith.constant 1 : i32
        %dma_start3A_219 = arith.constant 0 : i32
        %dma_start3A_220 = tpu.memref_slice %arg8[%dma_start3A_219] : memref<2064xi32, #tpu.memory_space<vmem>> -> memref<2048xi32, #tpu.memory_space<vmem>>
        %dma_start3A_221 = tpu.memref_slice %arg2[%dma_start3A_218, %mul3A_203] : memref<2x131072xi32, #tpu.memory_space<hbm>> -> memref<1x2048xi32, #tpu.memory_space<hbm>>
        %dma_start3A_222 = tpu.memref_squeeze %dma_start3A_221 : memref<1x2048xi32, #tpu.memory_space<hbm>> -> memref<2048xi32, #tpu.memory_space<hbm>>
        %dma_start3A_223 = arith.constant 0 : i32
        %dma_start3A_224 = tpu.memref_slice %arg8[%dma_start3A_223] : memref<2064xi32, #tpu.memory_space<vmem>> -> memref<2048xi32, #tpu.memory_space<vmem>>
        %dma_start3A_225 = tpu.memref_slice %arg2[%dma_start3A_218, %mul3A_203] : memref<2x131072xi32, #tpu.memory_space<hbm>> -> memref<1x2048xi32, #tpu.memory_space<hbm>>
        %dma_start3A_226 = tpu.memref_squeeze %dma_start3A_225 : memref<1x2048xi32, #tpu.memory_space<hbm>> -> memref<2048xi32, #tpu.memory_space<hbm>>
        tpu.enqueue_dma source(%dma_start3A_226 : memref<2048xi32, #tpu.memory_space<hbm>>) target(%dma_start3A_224 : memref<2048xi32, #tpu.memory_space<vmem>>) target_semaphore(%arg17 : memref<!tpu.dma_semaphore, #tpu.memory_space<semaphore_mem>>)
        %dma_start3A_227 = arith.constant 1 : i32
        %dma_start3A_228 = tpu.memref_slice %arg3[%dma_start3A_227, %mul3A_203] : memref<2x131072xf32, #tpu.memory_space<hbm>> -> memref<1x2048xf32, #tpu.memory_space<hbm>>
        %dma_start3A_229 = tpu.memref_squeeze %dma_start3A_228 : memref<1x2048xf32, #tpu.memory_space<hbm>> -> memref<2048xf32, #tpu.memory_space<hbm>>
        %dma_start3A_230 = tpu.memref_slice %arg3[%dma_start3A_227, %mul3A_203] : memref<2x131072xf32, #tpu.memory_space<hbm>> -> memref<1x2048xf32, #tpu.memory_space<hbm>>
        %dma_start3A_231 = tpu.memref_squeeze %dma_start3A_230 : memref<1x2048xf32, #tpu.memory_space<hbm>> -> memref<2048xf32, #tpu.memory_space<hbm>>
        tpu.enqueue_dma source(%dma_start3A_231 : memref<2048xf32, #tpu.memory_space<hbm>>) target(%arg9 : memref<2048xf32, #tpu.memory_space<vmem>>) target_semaphore(%arg17 : memref<!tpu.dma_semaphore, #tpu.memory_space<semaphore_mem>>)
      } else {
      }
      %get3A_189 = arith.index_cast %add3A_135 : i32 to index
      %get3A_190 = tpu.vector_load %arg16[%get3A_189] {strides = array<i32>} : memref<80xi32, #tpu.memory_space<vmem>>, vector<16xi32>,
      %slice3A_191 = vector.extract_strided_slice %get3A_190 {offsets = [0], sizes = [1], strides = [1]} : vector<16xi32> to vector<1xi32>
      %squeeze3A_192 = vector.extract %slice3A_191[0] : i32 from vector<1xi32>
      %lt3A_193 = arith.cmpi slt, %mul3A_0, %squeeze3A_192 : i32
      %convert_element_type3A_194 = arith.extui %lt3A_193 : i1 to i32
      %cond3A_195 = arith.constant 0 : i32
      %cond3A_196 = arith.cmpi ne, %convert_element_type3A_194, %cond3A_195 : i32
      scf.if %cond3A_196 {
        %parallel_loop3A = arith.constant 0 : i32
        %parallel_loop3A_197 = arith.constant 1024 : i32
        %parallel_loop3A_198 = arith.constant 1 : i32
        scf.for %parallel_loop3A_277 = %parallel_loop3A to %parallel_loop3A_197 step %parallel_loop3A_198  : i32 {
          %parallel_loop3A_278 = arith.constant 5 : i32
          %parallel_loop3A_279 = arith.shrui %parallel_loop3A_277, %parallel_loop3A_278 : i32
          %parallel_loop3A_280 = arith.constant 31 : i32
          %parallel_loop3A_281 = arith.andi %parallel_loop3A_277, %parallel_loop3A_280 : i32
          %parallel_loop3A_282 = arith.constant 16 : i32
          %parallel_loop3A_283 = arith.muli %parallel_loop3A_281, %parallel_loop3A_282 : i32
          %parallel_loop3A_284 = arith.index_cast %parallel_loop3A_279 : i32 to index
          %parallel_loop3A_285 = arith.index_cast %parallel_loop3A_283 : i32 to index
          %parallel_loop3A_286 = tpu.vector_load %arg15[%parallel_loop3A_284, %parallel_loop3A_285] {strides = array<i32>} : memref<32x512xf32, #tpu.memory_space<vmem>>, vector<16xf32>,
          tpu.vector_store %arg15[%parallel_loop3A_284, %parallel_loop3A_285], %broadcast_in_dim3A_2 {strides = array<i32>} : memref<32x512xf32, #tpu.memory_space<vmem>>, vector<16xf32>,
        } {sc.loop_unroll_factor = 8 : i64, sc.parallel_access}
        %mul3A_199 = arith.constant 262144 : i32
        %mul3A_200 = arith.muli %add3A_135, %mul3A_199 : i32
        %mul3A_201 = arith.constant 512 : i32
        %mul3A_202 = arith.muli %mul3A_0, %mul3A_201 : i32
        %add3A_203 = arith.addi %mul3A_200, %mul3A_202 : i32
        %min3A = arith.minsi %add3A_1, %squeeze3A_192 : i32
        %mul3A_204 = arith.constant 512 : i32
        %mul3A_205 = arith.muli %min3A, %mul3A_204 : i32
        %add3A_206 = arith.addi %mul3A_200, %mul3A_205 : i32
        %scan3A_207 = arith.constant 0 : i32
        %scan3A_208 = arith.constant 2048 : i32
        %scan3A_209 = arith.constant 0 : i32
        %scan3A_210 = arith.constant 11 : i32
        %scan3A_211 = arith.addi %scan3A_209, %scan3A_210 : i32
        %scan3A_212 = arith.constant 1 : i32
        %scan3A_213:2 = scf.for %scan3A_277 = %scan3A_209 to %scan3A_211 step %scan3A_212 iter_args(%scan3A_278 = %scan3A_207, %scan3A_279 = %scan3A_208) -> (i32, i32)  : i32 {
          %add3A_280 = arith.addi %scan3A_278, %scan3A_279 : i32
          %shift_right_logical3A_281 = arith.constant 1 : i32
          %shift_right_logical3A_282 = arith.shrui %add3A_280, %shift_right_logical3A_281 : i32
          %get3A_283 = arith.index_cast %shift_right_logical3A_282 : i32 to index
          %get3A_284 = tpu.vector_load %arg11[%get3A_283] {strides = array<i32>} : memref<2064xi32, #tpu.memory_space<vmem>>, vector<16xi32>,
          %slice3A_285 = vector.extract_strided_slice %get3A_284 {offsets = [0], sizes = [1], strides = [1]} : vector<16xi32> to vector<1xi32>
          %squeeze3A_286 = vector.extract %slice3A_285[0] : i32 from vector<1xi32>
          %lt3A_287 = arith.cmpi slt, %squeeze3A_286, %add3A_203 : i32
          %add3A_288 = arith.constant 1 : i32
          %add3A_289 = arith.addi %shift_right_logical3A_282, %add3A_288 : i32
          %select_n3A = arith.select %lt3A_287, %add3A_289, %scan3A_278 : i32
          %select_n3A_290 = arith.select %lt3A_287, %scan3A_279, %shift_right_logical3A_282 : i32
          scf.yield %select_n3A, %select_n3A_290 : i32, i32
        }
        %scan3A_214 = arith.constant 11 : i32
        %shift_right_logical3A = arith.constant 4 : i32
        %shift_right_logical3A_215 = arith.shrui %scan3A_213#0, %shift_right_logical3A : i32
        %scan3A_216 = arith.constant 0 : i32
        %scan3A_217 = arith.constant 2048 : i32
        %scan3A_218 = arith.constant 0 : i32
        %scan3A_219 = arith.constant 11 : i32
        %scan3A_220 = arith.addi %scan3A_218, %scan3A_219 : i32
        %scan3A_221 = arith.constant 1 : i32
        %scan3A_222:2 = scf.for %scan3A_277 = %scan3A_218 to %scan3A_220 step %scan3A_221 iter_args(%scan3A_278 = %scan3A_216, %scan3A_279 = %scan3A_217) -> (i32, i32)  : i32 {
          %add3A_280 = arith.addi %scan3A_278, %scan3A_279 : i32
          %shift_right_logical3A_281 = arith.constant 1 : i32
          %shift_right_logical3A_282 = arith.shrui %add3A_280, %shift_right_logical3A_281 : i32
          %get3A_283 = arith.index_cast %shift_right_logical3A_282 : i32 to index
          %get3A_284 = tpu.vector_load %arg11[%get3A_283] {strides = array<i32>} : memref<2064xi32, #tpu.memory_space<vmem>>, vector<16xi32>,
          %slice3A_285 = vector.extract_strided_slice %get3A_284 {offsets = [0], sizes = [1], strides = [1]} : vector<16xi32> to vector<1xi32>
          %squeeze3A_286 = vector.extract %slice3A_285[0] : i32 from vector<1xi32>
          %lt3A_287 = arith.cmpi slt, %squeeze3A_286, %add3A_206 : i32
          %add3A_288 = arith.constant 1 : i32
          %add3A_289 = arith.addi %shift_right_logical3A_282, %add3A_288 : i32
          %select_n3A = arith.select %lt3A_287, %add3A_289, %scan3A_278 : i32
          %select_n3A_290 = arith.select %lt3A_287, %scan3A_279, %shift_right_logical3A_282 : i32
          scf.yield %select_n3A, %select_n3A_290 : i32, i32
        }
        %scan3A_223 = arith.constant 11 : i32
        %add3A_224 = arith.constant 16 : i32
        %add3A_225 = arith.addi %scan3A_222#0, %add3A_224 : i32
        %sub3A_226 = arith.constant 1 : i32
        %sub3A_227 = arith.subi %add3A_225, %sub3A_226 : i32
        %shift_right_logical3A_228 = arith.constant 4 : i32
        %shift_right_logical3A_229 = arith.shrui %sub3A_227, %shift_right_logical3A_228 : i32
        %while3A = arith.constant 0 : i32
        %while3A_230 = arith.subi %shift_right_logical3A_229, %shift_right_logical3A_215 : i32
        %while3A_231 = arith.addi %shift_right_logical3A_215, %while3A_230 : i32
        %while3A_232 = arith.constant 1 : i32
        %while3A_233 = arith.divsi %while3A_230, %while3A_232 : i32
        %while3A_234 = arith.muli %while3A_233, %while3A_232 : i32
        %while3A_235 = arith.addi %shift_right_logical3A_215, %while3A_234 : i32
        %while3A_236 = arith.constant 1 : i32
        scf.for %while3A_277 = %shift_right_logical3A_215 to %while3A_235 step %while3A_236  : i32 {
          %mul3A_278 = arith.constant 16 : i32
          %mul3A_279 = arith.muli %while3A_277, %mul3A_278 : i32
          %get3A_280 = arith.index_cast %mul3A_279 : i32 to index
          %get3A_281 = tpu.vector_load %arg11[%get3A_280] {strides = array<i32>} : memref<2064xi32, #tpu.memory_space<vmem>>, vector<16xi32>,
          %mul3A_282 = arith.constant 16 : i32
          %mul3A_283 = arith.muli %while3A_277, %mul3A_282 : i32
          %add3A_284 = arith.constant 1 : i32
          %add3A_285 = arith.addi %mul3A_283, %add3A_284 : i32
          %get3A_286 = arith.index_cast %add3A_285 : i32 to index
          %get3A_287 = tpu.vector_load %arg11[%get3A_286] {strides = array<i32>} : memref<2064xi32, #tpu.memory_space<vmem>>, vector<16xi32>,
          %mul3A_288 = arith.constant 16 : i32
          %mul3A_289 = arith.muli %while3A_277, %mul3A_288 : i32
          %get3A_290 = arith.index_cast %mul3A_289 : i32 to index
          %get3A_291 = tpu.vector_load %arg12[%get3A_290] {strides = array<i32>} : memref<2048xf32, #tpu.memory_space<vmem>>, vector<16xf32>,
          %shift_right_logical3A_292 = arith.constant 9 : i32
          %shift_right_logical3A_293 = vector.broadcast %shift_right_logical3A_292 : i32 to vector<16xi32>
          %shift_right_logical3A_294 = arith.shrui %get3A_281, %shift_right_logical3A_293 : vector<16xi32>
          %and3A_295 = arith.constant 511 : i32
          %and3A_296 = vector.broadcast %and3A_295 : i32 to vector<16xi32>
          %and3A_297 = arith.andi %shift_right_logical3A_294, %and3A_296 : vector<16xi32>
          %and3A_298 = arith.constant 511 : i32
          %and3A_299 = vector.broadcast %and3A_298 : i32 to vector<16xi32>
          %and3A_300 = arith.andi %get3A_281, %and3A_299 : vector<16xi32>
          %ge3A_301 = vector.broadcast %add3A_203 : i32 to vector<16xi32>
          %ge3A_302 = arith.cmpi sge, %get3A_281, %ge3A_301 : vector<16xi32>
          %lt3A_303 = vector.broadcast %add3A_206 : i32 to vector<16xi32>
          %lt3A_304 = arith.cmpi slt, %get3A_281, %lt3A_303 : vector<16xi32>
          %and3A_305 = arith.andi %ge3A_302, %lt3A_304 : vector<16xi1>
          %ne3A = arith.cmpi ne, %get3A_281, %get3A_287 : vector<16xi32>
          %and3A_306 = arith.andi %and3A_305, %ne3A : vector<16xi1>
          %sub3A_307 = vector.broadcast %mul3A_0 : i32 to vector<16xi32>
          %sub3A_308 = arith.subi %and3A_297, %sub3A_307 : vector<16xi32>
          tpu.vector_store_idx %arg15[%sub3A_308, %and3A_300], %get3A_291 masked %and3A_306 : memref<32x512xf32, #tpu.memory_space<vmem>>[vector<16xi32>, vector<16xi32>], vector<16xf32>, vector<16xi1>
        }
        %while3A_237 = arith.constant 1 : i32
        scf.for %while3A_277 = %while3A_235 to %while3A_231 step %while3A_237  : i32 {
          %mul3A_278 = arith.constant 16 : i32
          %mul3A_279 = arith.muli %while3A_277, %mul3A_278 : i32
          %get3A_280 = arith.index_cast %mul3A_279 : i32 to index
          %get3A_281 = tpu.vector_load %arg11[%get3A_280] {strides = array<i32>} : memref<2064xi32, #tpu.memory_space<vmem>>, vector<16xi32>,
          %mul3A_282 = arith.constant 16 : i32
          %mul3A_283 = arith.muli %while3A_277, %mul3A_282 : i32
          %add3A_284 = arith.constant 1 : i32
          %add3A_285 = arith.addi %mul3A_283, %add3A_284 : i32
          %get3A_286 = arith.index_cast %add3A_285 : i32 to index
          %get3A_287 = tpu.vector_load %arg11[%get3A_286] {strides = array<i32>} : memref<2064xi32, #tpu.memory_space<vmem>>, vector<16xi32>,
          %mul3A_288 = arith.constant 16 : i32
          %mul3A_289 = arith.muli %while3A_277, %mul3A_288 : i32
          %get3A_290 = arith.index_cast %mul3A_289 : i32 to index
          %get3A_291 = tpu.vector_load %arg12[%get3A_290] {strides = array<i32>} : memref<2048xf32, #tpu.memory_space<vmem>>, vector<16xf32>,
          %shift_right_logical3A_292 = arith.constant 9 : i32
          %shift_right_logical3A_293 = vector.broadcast %shift_right_logical3A_292 : i32 to vector<16xi32>
          %shift_right_logical3A_294 = arith.shrui %get3A_281, %shift_right_logical3A_293 : vector<16xi32>
          %and3A_295 = arith.constant 511 : i32
          %and3A_296 = vector.broadcast %and3A_295 : i32 to vector<16xi32>
          %and3A_297 = arith.andi %shift_right_logical3A_294, %and3A_296 : vector<16xi32>
          %and3A_298 = arith.constant 511 : i32
          %and3A_299 = vector.broadcast %and3A_298 : i32 to vector<16xi32>
          %and3A_300 = arith.andi %get3A_281, %and3A_299 : vector<16xi32>
          %ge3A_301 = vector.broadcast %add3A_203 : i32 to vector<16xi32>
          %ge3A_302 = arith.cmpi sge, %get3A_281, %ge3A_301 : vector<16xi32>
          %lt3A_303 = vector.broadcast %add3A_206 : i32 to vector<16xi32>
          %lt3A_304 = arith.cmpi slt, %get3A_281, %lt3A_303 : vector<16xi32>
          %and3A_305 = arith.andi %ge3A_302, %lt3A_304 : vector<16xi1>
          %ne3A = arith.cmpi ne, %get3A_281, %get3A_287 : vector<16xi32>
          %and3A_306 = arith.andi %and3A_305, %ne3A : vector<16xi1>
          %sub3A_307 = vector.broadcast %mul3A_0 : i32 to vector<16xi32>
          %sub3A_308 = arith.subi %and3A_297, %sub3A_307 : vector<16xi32>
          tpu.vector_store_idx %arg15[%sub3A_308, %and3A_300], %get3A_291 masked %and3A_306 : memref<32x512xf32, #tpu.memory_space<vmem>>[vector<16xi32>, vector<16xi32>], vector<16xf32>, vector<16xi1>
        }
        %scan3A_238 = arith.constant 0 : i32
        %scan3A_239 = arith.constant 2048 : i32
        %scan3A_240 = arith.constant 0 : i32
        %scan3A_241 = arith.constant 11 : i32
        %scan3A_242 = arith.addi %scan3A_240, %scan3A_241 : i32
        %scan3A_243 = arith.constant 1 : i32
        %scan3A_244:2 = scf.for %scan3A_277 = %scan3A_240 to %scan3A_242 step %scan3A_243 iter_args(%scan3A_278 = %scan3A_238, %scan3A_279 = %scan3A_239) -> (i32, i32)  : i32 {
          %add3A_280 = arith.addi %scan3A_278, %scan3A_279 : i32
          %shift_right_logical3A_281 = arith.constant 1 : i32
          %shift_right_logical3A_282 = arith.shrui %add3A_280, %shift_right_logical3A_281 : i32
          %get3A_283 = arith.index_cast %shift_right_logical3A_282 : i32 to index
          %get3A_284 = tpu.vector_load %arg13[%get3A_283] {strides = array<i32>} : memref<2064xi32, #tpu.memory_space<vmem>>, vector<16xi32>,
          %slice3A_285 = vector.extract_strided_slice %get3A_284 {offsets = [0], sizes = [1], strides = [1]} : vector<16xi32> to vector<1xi32>
          %squeeze3A_286 = vector.extract %slice3A_285[0] : i32 from vector<1xi32>
          %lt3A_287 = arith.cmpi slt, %squeeze3A_286, %add3A_203 : i32
          %add3A_288 = arith.constant 1 : i32
          %add3A_289 = arith.addi %shift_right_logical3A_282, %add3A_288 : i32
          %select_n3A = arith.select %lt3A_287, %add3A_289, %scan3A_278 : i32
          %select_n3A_290 = arith.select %lt3A_287, %scan3A_279, %shift_right_logical3A_282 : i32
          scf.yield %select_n3A, %select_n3A_290 : i32, i32
        }
        %scan3A_245 = arith.constant 11 : i32
        %shift_right_logical3A_246 = arith.constant 4 : i32
        %shift_right_logical3A_247 = arith.shrui %scan3A_244#0, %shift_right_logical3A_246 : i32
        %scan3A_248 = arith.constant 0 : i32
        %scan3A_249 = arith.constant 2048 : i32
        %scan3A_250 = arith.constant 0 : i32
        %scan3A_251 = arith.constant 11 : i32
        %scan3A_252 = arith.addi %scan3A_250, %scan3A_251 : i32
        %scan3A_253 = arith.constant 1 : i32
        %scan3A_254:2 = scf.for %scan3A_277 = %scan3A_250 to %scan3A_252 step %scan3A_253 iter_args(%scan3A_278 = %scan3A_248, %scan3A_279 = %scan3A_249) -> (i32, i32)  : i32 {
          %add3A_280 = arith.addi %scan3A_278, %scan3A_279 : i32
          %shift_right_logical3A_281 = arith.constant 1 : i32
          %shift_right_logical3A_282 = arith.shrui %add3A_280, %shift_right_logical3A_281 : i32
          %get3A_283 = arith.index_cast %shift_right_logical3A_282 : i32 to index
          %get3A_284 = tpu.vector_load %arg13[%get3A_283] {strides = array<i32>} : memref<2064xi32, #tpu.memory_space<vmem>>, vector<16xi32>,
          %slice3A_285 = vector.extract_strided_slice %get3A_284 {offsets = [0], sizes = [1], strides = [1]} : vector<16xi32> to vector<1xi32>
          %squeeze3A_286 = vector.extract %slice3A_285[0] : i32 from vector<1xi32>
          %lt3A_287 = arith.cmpi slt, %squeeze3A_286, %add3A_206 : i32
          %add3A_288 = arith.constant 1 : i32
          %add3A_289 = arith.addi %shift_right_logical3A_282, %add3A_288 : i32
          %select_n3A = arith.select %lt3A_287, %add3A_289, %scan3A_278 : i32
          %select_n3A_290 = arith.select %lt3A_287, %scan3A_279, %shift_right_logical3A_282 : i32
          scf.yield %select_n3A, %select_n3A_290 : i32, i32
        }
        %scan3A_255 = arith.constant 11 : i32
        %add3A_256 = arith.constant 16 : i32
        %add3A_257 = arith.addi %scan3A_254#0, %add3A_256 : i32
        %sub3A_258 = arith.constant 1 : i32
        %sub3A_259 = arith.subi %add3A_257, %sub3A_258 : i32
        %shift_right_logical3A_260 = arith.constant 4 : i32
        %shift_right_logical3A_261 = arith.shrui %sub3A_259, %shift_right_logical3A_260 : i32
        %while3A_262 = arith.constant 0 : i32
        %while3A_263 = arith.subi %shift_right_logical3A_261, %shift_right_logical3A_247 : i32
        %while3A_264 = arith.addi %shift_right_logical3A_247, %while3A_263 : i32
        %while3A_265 = arith.constant 1 : i32
        %while3A_266 = arith.divsi %while3A_263, %while3A_265 : i32
        %while3A_267 = arith.muli %while3A_266, %while3A_265 : i32
        %while3A_268 = arith.addi %shift_right_logical3A_247, %while3A_267 : i32
        %while3A_269 = arith.constant 1 : i32
        scf.for %while3A_277 = %shift_right_logical3A_247 to %while3A_268 step %while3A_269  : i32 {
          %mul3A_278 = arith.constant 16 : i32
          %mul3A_279 = arith.muli %while3A_277, %mul3A_278 : i32
          %get3A_280 = arith.index_cast %mul3A_279 : i32 to index
          %get3A_281 = tpu.vector_load %arg13[%get3A_280] {strides = array<i32>} : memref<2064xi32, #tpu.memory_space<vmem>>, vector<16xi32>,
          %mul3A_282 = arith.constant 16 : i32
          %mul3A_283 = arith.muli %while3A_277, %mul3A_282 : i32
          %add3A_284 = arith.constant 1 : i32
          %add3A_285 = arith.addi %mul3A_283, %add3A_284 : i32
          %get3A_286 = arith.index_cast %add3A_285 : i32 to index
          %get3A_287 = tpu.vector_load %arg13[%get3A_286] {strides = array<i32>} : memref<2064xi32, #tpu.memory_space<vmem>>, vector<16xi32>,
          %mul3A_288 = arith.constant 16 : i32
          %mul3A_289 = arith.muli %while3A_277, %mul3A_288 : i32
          %get3A_290 = arith.index_cast %mul3A_289 : i32 to index
          %get3A_291 = tpu.vector_load %arg14[%get3A_290] {strides = array<i32>} : memref<2048xf32, #tpu.memory_space<vmem>>, vector<16xf32>,
          %shift_right_logical3A_292 = arith.constant 9 : i32
          %shift_right_logical3A_293 = vector.broadcast %shift_right_logical3A_292 : i32 to vector<16xi32>
          %shift_right_logical3A_294 = arith.shrui %get3A_281, %shift_right_logical3A_293 : vector<16xi32>
          %and3A_295 = arith.constant 511 : i32
          %and3A_296 = vector.broadcast %and3A_295 : i32 to vector<16xi32>
          %and3A_297 = arith.andi %shift_right_logical3A_294, %and3A_296 : vector<16xi32>
          %and3A_298 = arith.constant 511 : i32
          %and3A_299 = vector.broadcast %and3A_298 : i32 to vector<16xi32>
          %and3A_300 = arith.andi %get3A_281, %and3A_299 : vector<16xi32>
          %ge3A_301 = vector.broadcast %add3A_203 : i32 to vector<16xi32>
          %ge3A_302 = arith.cmpi sge, %get3A_281, %ge3A_301 : vector<16xi32>
          %lt3A_303 = vector.broadcast %add3A_206 : i32 to vector<16xi32>
          %lt3A_304 = arith.cmpi slt, %get3A_281, %lt3A_303 : vector<16xi32>
          %and3A_305 = arith.andi %ge3A_302, %lt3A_304 : vector<16xi1>
          %ne3A = arith.cmpi ne, %get3A_281, %get3A_287 : vector<16xi32>
          %and3A_306 = arith.andi %and3A_305, %ne3A : vector<16xi1>
          %sub3A_307 = vector.broadcast %mul3A_0 : i32 to vector<16xi32>
          %sub3A_308 = arith.subi %and3A_297, %sub3A_307 : vector<16xi32>
          tpu.vector_store_idx %arg15[%sub3A_308, %and3A_300], %get3A_291 masked %and3A_306 : memref<32x512xf32, #tpu.memory_space<vmem>>[vector<16xi32>, vector<16xi32>], vector<16xf32>, vector<16xi1>
        }
        %while3A_270 = arith.constant 1 : i32
        scf.for %while3A_277 = %while3A_268 to %while3A_264 step %while3A_270  : i32 {
          %mul3A_278 = arith.constant 16 : i32
          %mul3A_279 = arith.muli %while3A_277, %mul3A_278 : i32
          %get3A_280 = arith.index_cast %mul3A_279 : i32 to index
          %get3A_281 = tpu.vector_load %arg13[%get3A_280] {strides = array<i32>} : memref<2064xi32, #tpu.memory_space<vmem>>, vector<16xi32>,
          %mul3A_282 = arith.constant 16 : i32
          %mul3A_283 = arith.muli %while3A_277, %mul3A_282 : i32
          %add3A_284 = arith.constant 1 : i32
          %add3A_285 = arith.addi %mul3A_283, %add3A_284 : i32
          %get3A_286 = arith.index_cast %add3A_285 : i32 to index
          %get3A_287 = tpu.vector_load %arg13[%get3A_286] {strides = array<i32>} : memref<2064xi32, #tpu.memory_space<vmem>>, vector<16xi32>,
          %mul3A_288 = arith.constant 16 : i32
          %mul3A_289 = arith.muli %while3A_277, %mul3A_288 : i32
          %get3A_290 = arith.index_cast %mul3A_289 : i32 to index
          %get3A_291 = tpu.vector_load %arg14[%get3A_290] {strides = array<i32>} : memref<2048xf32, #tpu.memory_space<vmem>>, vector<16xf32>,
          %shift_right_logical3A_292 = arith.constant 9 : i32
          %shift_right_logical3A_293 = vector.broadcast %shift_right_logical3A_292 : i32 to vector<16xi32>
          %shift_right_logical3A_294 = arith.shrui %get3A_281, %shift_right_logical3A_293 : vector<16xi32>
          %and3A_295 = arith.constant 511 : i32
          %and3A_296 = vector.broadcast %and3A_295 : i32 to vector<16xi32>
          %and3A_297 = arith.andi %shift_right_logical3A_294, %and3A_296 : vector<16xi32>
          %and3A_298 = arith.constant 511 : i32
          %and3A_299 = vector.broadcast %and3A_298 : i32 to vector<16xi32>
          %and3A_300 = arith.andi %get3A_281, %and3A_299 : vector<16xi32>
          %ge3A_301 = vector.broadcast %add3A_203 : i32 to vector<16xi32>
          %ge3A_302 = arith.cmpi sge, %get3A_281, %ge3A_301 : vector<16xi32>
          %lt3A_303 = vector.broadcast %add3A_206 : i32 to vector<16xi32>
          %lt3A_304 = arith.cmpi slt, %get3A_281, %lt3A_303 : vector<16xi32>
          %and3A_305 = arith.andi %ge3A_302, %lt3A_304 : vector<16xi1>
          %ne3A = arith.cmpi ne, %get3A_281, %get3A_287 : vector<16xi32>
          %and3A_306 = arith.andi %and3A_305, %ne3A : vector<16xi1>
          %sub3A_307 = vector.broadcast %mul3A_0 : i32 to vector<16xi32>
          %sub3A_308 = arith.subi %and3A_297, %sub3A_307 : vector<16xi32>
          tpu.vector_store_idx %arg15[%sub3A_308, %and3A_300], %get3A_291 masked %and3A_306 : memref<32x512xf32, #tpu.memory_space<vmem>>[vector<16xi32>, vector<16xi32>], vector<16xf32>, vector<16xi1>
        }
        %dma_start3A_271 = arith.constant 0 : i32
        %dma_start3A_272 = tpu.memref_slice %arg5[%add3A_135, %mul3A_0, %dma_start3A_271] : memref<64x512x512xf32, #tpu.memory_space<hbm>> -> memref<1x32x512xf32, #tpu.memory_space<hbm>>
        %dma_start3A_273 = tpu.memref_squeeze %dma_start3A_272 : memref<1x32x512xf32, #tpu.memory_space<hbm>> -> memref<32x512xf32, #tpu.memory_space<hbm>>
        %dma_start3A_274 = arith.constant 0 : i32
        %dma_start3A_275 = tpu.memref_slice %arg5[%add3A_135, %mul3A_0, %dma_start3A_274] : memref<64x512x512xf32, #tpu.memory_space<hbm>> -> memref<1x32x512xf32, #tpu.memory_space<hbm>>
        %dma_start3A_276 = tpu.memref_squeeze %dma_start3A_275 : memref<1x32x512xf32, #tpu.memory_space<hbm>> -> memref<32x512xf32, #tpu.memory_space<hbm>>
        tpu.enqueue_dma source(%arg15 : memref<32x512xf32, #tpu.memory_space<vmem>>) target(%dma_start3A_276 : memref<32x512xf32, #tpu.memory_space<hbm>>) target_semaphore(%arg19 : memref<!tpu.dma_semaphore, #tpu.memory_space<semaphore_mem>>)
      } else {
      }
    }
    %scan3A_42 = arith.constant 16 : i32
    %mul3A_43 = arith.constant 32 : i32
    %mul3A_44 = arith.muli %arg0, %mul3A_43 : i32
    %add3A_45 = arith.constant 30 : i32
    %add3A_46 = arith.addi %mul3A_44, %add3A_45 : i32
    %get3A = arith.index_cast %add3A_46 : i32 to index
    %get3A_47 = tpu.vector_load %arg16[%get3A] {strides = array<i32>} : memref<80xi32, #tpu.memory_space<vmem>>, vector<16xi32>,
    %slice3A = vector.extract_strided_slice %get3A_47 {offsets = [0], sizes = [1], strides = [1]} : vector<16xi32> to vector<1xi32>
    %squeeze3A = vector.extract %slice3A[0] : i32 from vector<1xi32>
    %lt3A = arith.cmpi slt, %mul3A_0, %squeeze3A : i32
    %convert_element_type3A = arith.extui %lt3A : i1 to i32
    %cond3A = arith.constant 0 : i32
    %cond3A_48 = arith.cmpi ne, %convert_element_type3A, %cond3A : i32
    scf.if %cond3A_48 {
      %dma_wait3A = arith.constant 0 : i32
      %dma_wait3A_61 = tpu.memref_slice %arg5[%add3A_46, %mul3A_0, %dma_wait3A] : memref<64x512x512xf32, #tpu.memory_space<hbm>> -> memref<1x32x512xf32, #tpu.memory_space<hbm>>
      %dma_wait3A_62 = tpu.memref_squeeze %dma_wait3A_61 : memref<1x32x512xf32, #tpu.memory_space<hbm>> -> memref<32x512xf32, #tpu.memory_space<hbm>>
      %dma_wait3A_63 = arith.constant 0 : i32
      %dma_wait3A_64 = tpu.memref_slice %arg5[%add3A_46, %mul3A_0, %dma_wait3A_63] : memref<64x512x512xf32, #tpu.memory_space<hbm>> -> memref<1x32x512xf32, #tpu.memory_space<hbm>>
      %dma_wait3A_65 = tpu.memref_squeeze %dma_wait3A_64 : memref<1x32x512xf32, #tpu.memory_space<hbm>> -> memref<32x512xf32, #tpu.memory_space<hbm>>
      tpu.wait_dma2 semaphore(%arg18 : memref<!tpu.dma_semaphore, #tpu.memory_space<semaphore_mem>>) src(%arg10 : memref<32x512xf32, #tpu.memory_space<vmem>>) dst(%dma_wait3A_65 : memref<32x512xf32, #tpu.memory_space<hbm>>)
    } else {
    }
    %mul3A_49 = arith.constant 32 : i32
    %mul3A_50 = arith.muli %arg0, %mul3A_49 : i32
    %add3A_51 = arith.constant 31 : i32
    %add3A_52 = arith.addi %mul3A_50, %add3A_51 : i32
    %get3A_53 = arith.index_cast %add3A_52 : i32 to index
    %get3A_54 = tpu.vector_load %arg16[%get3A_53] {strides = array<i32>} : memref<80xi32, #tpu.memory_space<vmem>>, vector<16xi32>,
    %slice3A_55 = vector.extract_strided_slice %get3A_54 {offsets = [0], sizes = [1], strides = [1]} : vector<16xi32> to vector<1xi32>
    %squeeze3A_56 = vector.extract %slice3A_55[0] : i32 from vector<1xi32>
    %lt3A_57 = arith.cmpi slt, %mul3A_0, %squeeze3A_56 : i32
    %convert_element_type3A_58 = arith.extui %lt3A_57 : i1 to i32
    %cond3A_59 = arith.constant 0 : i32
    %cond3A_60 = arith.cmpi ne, %convert_element_type3A_58, %cond3A_59 : i32
    scf.if %cond3A_60 {
      %dma_wait3A = arith.constant 0 : i32
      %dma_wait3A_61 = tpu.memref_slice %arg5[%add3A_52, %mul3A_0, %dma_wait3A] : memref<64x512x512xf32, #tpu.memory_space<hbm>> -> memref<1x32x512xf32, #tpu.memory_space<hbm>>
      %dma_wait3A_62 = tpu.memref_squeeze %dma_wait3A_61 : memref<1x32x512xf32, #tpu.memory_space<hbm>> -> memref<32x512xf32, #tpu.memory_space<hbm>>
      %dma_wait3A_63 = arith.constant 0 : i32
      %dma_wait3A_64 = tpu.memref_slice %arg5[%add3A_52, %mul3A_0, %dma_wait3A_63] : memref<64x512x512xf32, #tpu.memory_space<hbm>> -> memref<1x32x512xf32, #tpu.memory_space<hbm>>
      %dma_wait3A_65 = tpu.memref_squeeze %dma_wait3A_64 : memref<1x32x512xf32, #tpu.memory_space<hbm>> -> memref<32x512xf32, #tpu.memory_space<hbm>>
      tpu.wait_dma2 semaphore(%arg19 : memref<!tpu.dma_semaphore, #tpu.memory_space<semaphore_mem>>) src(%arg15 : memref<32x512xf32, #tpu.memory_space<vmem>>) dst(%dma_wait3A_65 : memref<32x512xf32, #tpu.memory_space<hbm>>)
    } else {
    }
    return
  }
}

module attributes {stable_mosaic.version = 14 : i64} {
  func.func @_mm_body(%arg0: i32, %arg1: memref<64xi32, #tpu.memory_space<smem>>, %arg2: memref<1x512x512xf32, #tpu.memory_space<vmem>>, %arg3: memref<512x512xf32, #tpu.memory_space<vmem>>, %arg4: memref<512xf32, #tpu.memory_space<vmem>>, %arg5: memref<1x512x512xf32, #tpu.memory_space<vmem>>) attributes {dimension_semantics = [#tpu.dimension_semantics<arbitrary>], iteration_bounds = array<i64: 64>, scalar_prefetch = 0 : i64, scratch_operands = 0 : i64, tpu.core_type = #tpu.core_type<tc>, window_params = [{transform_indices = @transform_0, window_bounds = array<i64: 64>}, {transform_indices = @transform_1, window_bounds = array<i64: 1, 512, 512>}, {pipeline_mode = #tpu.pipeline_mode<synchronous>, transform_indices = @transform_2, window_bounds = array<i64: 512, 512>}, {pipeline_mode = #tpu.pipeline_mode<synchronous>, transform_indices = @transform_3, window_bounds = array<i64: 512>}, {transform_indices = @transform_4, window_bounds = array<i64: 1, 512, 512>}]} {
    %get3A = arith.index_cast %arg0 : i32 to index
    %get3A_0 = memref.load %arg1[%get3A] : memref<64xi32, #tpu.memory_space<smem>>
    %get3A_1 = arith.constant 0 : index
    %get3A_2 = arith.constant 0 : index
    %get3A_3 = arith.constant 0 : index
    %get3A_4 = vector.load %arg2[%get3A_1, %get3A_2, %get3A_3] : memref<1x512x512xf32, #tpu.memory_space<vmem>>, vector<1x512x512xf32>
    %get3A_5 = vector.shape_cast %get3A_4 : vector<1x512x512xf32> to vector<512x512xf32>
    %get3A_6 = arith.constant 0 : index
    %get3A_7 = arith.constant 0 : index
    %get3A_8 = vector.load %arg3[%get3A_6, %get3A_7] : memref<512x512xf32, #tpu.memory_space<vmem>>, vector<512x512xf32>
    %dot_general3A = arith.constant dense<0.000000e+00> : vector<512x512xf32>
    %dot_general3A_9 = tpu.matmul %get3A_5, %get3A_8, %dot_general3A {dimension_numbers = #tpu.dot_dimension_numbers<[1], [1], [0], [0], [0, 0, 1, 0], [], []>, transpose_lhs_hint = false} : vector<512x512xf32>, vector<512x512xf32>, vector<512x512xf32> -> vector<512x512xf32>
    %iota3A = tpu.iota {dimensions = array<i32: 0>} : vector<512x512xi32>
    %lt3A = vector.broadcast %get3A_0 : i32 to vector<512x512xi32>
    %lt3A_10 = arith.cmpi slt, %iota3A, %lt3A : vector<512x512xi32>
    %get3A_11 = arith.constant 0 : index
    %get3A_12 = vector.load %arg4[%get3A_11] : memref<512xf32, #tpu.memory_space<vmem>>, vector<512xf32>
    %broadcast_in_dim3A = vector.shape_cast %get3A_12 : vector<512xf32> to vector<1x512xf32>
    %add3A = vector.broadcast %broadcast_in_dim3A : vector<1x512xf32> to vector<512x512xf32>
    %add3A_13 = arith.addf %dot_general3A_9, %add3A : vector<512x512xf32>
    %jit3A = arith.constant 0.000000e+00 : f32
    %broadcast_in_dim3A_14 = vector.broadcast %jit3A : f32 to vector<512x512xf32>
    %select_n3A = arith.select %lt3A_10, %add3A_13, %broadcast_in_dim3A_14 : vector<512x512xi1>, vector<512x512xf32>
    %swap3A = arith.constant 0 : index
    %swap3A_15 = arith.constant 0 : index
    %swap3A_16 = arith.constant 0 : index
    %swap3A_17 = vector.load %arg5[%swap3A, %swap3A_15, %swap3A_16] : memref<1x512x512xf32, #tpu.memory_space<vmem>>, vector<1x512x512xf32>
    %swap3A_18 = vector.shape_cast %swap3A_17 : vector<1x512x512xf32> to vector<512x512xf32>
    %swap3A_19 = vector.shape_cast %select_n3A : vector<512x512xf32> to vector<1x512x512xf32>
    tpu.vector_store %arg5[%swap3A, %swap3A_15, %swap3A_16], %swap3A_19 {strides = array<i32>} : memref<1x512x512xf32, #tpu.memory_space<vmem>>, vector<1x512x512xf32>,
    return
  }
  func.func @transform_0(%arg0: i32) -> i32 {
    %c0_i32 = arith.constant 0 : i32
    %c0_i32_0 = arith.constant 0 : i32
    return %c0_i32 : i32
  }
  func.func @transform_1(%arg0: i32) -> (i32, i32, i32) {
    %c0_i32 = arith.constant 0 : i32
    %c0_i32_0 = arith.constant 0 : i32
    %c0_i32_1 = arith.constant 0 : i32
    return %arg0, %c0_i32, %c0_i32_0 : i32, i32, i32
  }
  func.func @transform_2(%arg0: i32) -> (i32, i32) {
    %c0_i32 = arith.constant 0 : i32
    %c0_i32_0 = arith.constant 0 : i32
    %c0_i32_1 = arith.constant 0 : i32
    return %c0_i32, %c0_i32_0 : i32, i32
  }
  func.func @transform_3(%arg0: i32) -> i32 {
    %c0_i32 = arith.constant 0 : i32
    %c0_i32_0 = arith.constant 0 : i32
    return %c0_i32 : i32
  }
  func.func @transform_4(%arg0: i32) -> (i32, i32, i32) {
    %c0_i32 = arith.constant 0 : i32
    %c0_i32_0 = arith.constant 0 : i32
    %c0_i32_1 = arith.constant 0 : i32
    return %arg0, %c0_i32, %c0_i32_0 : i32, i32, i32
  }
}

</mosaic_0001>

<sc_bundles>
// kernel: kernel.4.cloned.1.call-start
scs
__scs_entry_jumppad:
0x0: {  	(pc) =	sbr.rel $0x88, $3  }
0x1: {  	(tag) =	ssettag $0x0;
	lr =	simm.s32 $0x1  }
0x2: {  	[smem:$0x3F9C] =	sst lr;
	_ =	strace $0xD0000000  }
0x3: {  	_ = 	snop  }
0x4: {  	_ = 	snop  }
0x5: {  	_ = 	snop  }
0x6: {  	_ = 	snop  }
0x7: {  	_ = 	snop  }
__scs_overlays_trampoline_lowered:
0x8: {  	[smem:$0x3FAB] =	sst s0  }
0x9: {  	[smem:$0x3FAC] =	sst s1  }
0xa: {  	[smem:$0x3FAD] =	sst s2  }
0xb: {  	[smem:$0x3FAE] =	sst s3  }
0xc: {  	[smem:$0x3FAF] =	sst s4  }
0xd: {  	[smem:$0x3FB0] =	sst s5  }
0xe: {  	[smem:$0x3FB1] =	sst s6  }
0xf: {  	[smem:$0x3FB2] =	sst s7  }
0x10: {  	[smem:$0x3FB3] =	sst s8  }
0x11: {  	[smem:$0x3FB4] =	sst s9;
	s0 =	simm.s32 @!p0 $0x0  }
0x12: {  	s1 =	sld [smem:$0x3F9A];
	s0 =	simm.s32 @p0 $0x1  }
0x13: {  	[smem:$0x3FB5] =	sst s0;
	s0 =	simm.s32 @!p1 $0x0  }
0x14: {  	s2 =	sld [smem:$0x3F99];
	s0 =	simm.s32 @p1 $0x1  }
0x15: {  	[smem:$0x3FB6] =	sst s0;
	s0 =	simm.s32 @!p2 $0x0  }
0x16: {  	s3 =	sld [smem:$0x3FDB];
	s0 =	simm.s32 @p2 $0x1  }
0x17: {  	s4 =	simm.s32 $0x1BF5;
	[smem:$0x3FB8] =	sst s0  }
0x18: {  	s0 =	sld [smem:$0x3F9B];
	_ =	swait.ge [sflag:s4], $0x0  }
0x19: {  	s7 =	sld [smem:$0x3F9C]  }
0x1a: {  	s8 =	sadd.s32 $0xFFFFE003, lr  }
0x1b: {  	s9 =	sadd.s32 $0xFFFFFEF7, lr;
	s5 =	simm.s32 $0xFFFFFFFF;
	p2 =	slt.u32 s8, $0xFFFFF086  }
0x1c: {  	p1 =	slt.u32 s9, $0xF7A;
	s5 =	simm.s32 @!p2 $0x0  }
0x1d: {  	s5 =	simm.s32 @p1 $0x1;
	p0 =	seq.s32 s7, s2  }
0x1e: {  	s7 =	smul.u32 @!p0 $0xF7A, s2;
	p2 =	seq.s32 @!p0 s5, $0x0  }
0x1f: {  	s9 =	smul.u32 $0xF7A, s1;
	s8 =	simm.s32 @!p0 $0x1BF5;
	p2 =	por !p2, p0  }
0x20: {  	[sflag:s8] =	ssyncset.s32 @!p0 $0xFFFFF086;
	s6 =	sadd.s32 @!p0 s3, s7;
	s7 =	simm.s32 @!p0 $0x108  }
0x21: {  	s3 =	sadd.s32 s3, s9;
	s6 =	sadd.s32 @!p0 $0x88, s6;
	s7 =	simm.s32 @p2 $0x1082  }
0x22: {  	[simem:s7], [sflag:s8] =	dma.local @!p0 [hbm:s6], $0xF7A  }
0x23: {  	s9 =	sor.u32 $0xD0000000, s2;
	s6 =	simm.s32 $0x108;
	_ =	swait.ge @!p0 [sflag:s8], $0x0  }
0x24: {  	s3 =	sadd.s32 $0x88, s3;
	s6 =	simm.s32 @!p1 $0x1082;
	[sflag:s4] =	ssyncset.s32 $0xFFFFF086  }
0x25: {  	[simem:s6], [sflag:s4] =	dma.local [hbm:s3], $0xF7A  }
0x26: {  	[smem:$0x3F9C] =	sst s1;
	(tag) =	ssettag s2;
	_ =	strace s9  }
0x27: {  	s1 =	sld [smem:$0x3FAC]  }
0x28: {  	s2 =	sld [smem:$0x3FAD]  }
0x29: {  	s4 =	sld [smem:$0x3FAF]  }
0x2a: {  	p0 =	seq.s32 s5, $0x0;
	s5 =	sld [smem:$0x3FB0]  }
0x2b: {  	s6 =	sld [smem:$0x3FB1]  }
0x2c: {  	s7 =	sld [smem:$0x3FB2]  }
0x2d: {  	s3 =	simm.s32 $0x108;
	s8 =	sld [smem:$0x3FB3]  }
0x2e: {  	s3 =	simm.s32 @!p0 $0x1082;
	s9 =	sld [smem:$0x3FB4]  }
0x2f: {  	lr =	sadd.s32 s0, s3;
	s0 =	sld [smem:$0x3FAB]  }
0x30: {  	s3 =	sld [smem:$0x3FAE]  }
0x31: {  	[smem:$0x3FB7] =	sst s10  }
0x32: {  	s10 =	sld [smem:$0x3FB5];
	_ =	sdelay $0x3  }
0x33: {  	p0 =	seq.s32 s10, $0x1;
	s10 =	sld [smem:$0x3FB7];
	_ =	sdelay $0x3  }
0x34: {  	[smem:$0x3FB7] =	sst s10  }
0x35: {  	s10 =	sld [smem:$0x3FB6];
	_ =	sdelay $0x3  }
0x36: {  	p1 =	seq.s32 s10, $0x1;
	s10 =	sld [smem:$0x3FB7];
	_ =	sdelay $0x3  }
0x37: {  	[smem:$0x3FB7] =	sst s10  }
0x38: {  	s10 =	sld [smem:$0x3FB8]  }
0x39: {  	_ = 	snop;
	(pc) =	sbr.ind lr, $3  }
0x3a: {  	_ = 	snop  }
0x3b: {  	_ = 	snop  }
0x3c: {  	p2 =	seq.s32 s10, $0x1;
	s10 =	sld [smem:$0x3FB7]  }
0x3d: {  	_ =	shalt  }
0x3e: {  	_ =	shalt  }
0x3f: {  	_ =	shalt  }
0x40: {  	_ =	shalt  }
0x41: {  	_ =	shalt  }
0x42: {  	_ =	shalt  }
0x43: {  	_ =	shalt  }
0x44: {  	_ =	shalt  }
0x45: {  	_ =	shalt  }
0x46: {  	_ =	shalt  }
0x47: {  	_ =	shalt  }
0x48: {  	_ =	shalt  }
0x49: {  	_ =	shalt  }
0x4a: {  	_ =	shalt  }
0x4b: {  	_ =	shalt  }
0x4c: {  	_ =	shalt  }
0x4d: {  	_ =	shalt  }
0x4e: {  	_ =	shalt  }
0x4f: {  	_ =	shalt  }
0x50: {  	_ =	shalt  }
0x51: {  	_ =	shalt  }
0x52: {  	_ =	shalt  }
0x53: {  	_ =	shalt  }
0x54: {  	_ =	shalt  }
0x55: {  	_ =	shalt  }
0x56: {  	_ =	shalt  }
0x57: {  	_ =	shalt  }
0x58: {  	_ =	shalt  }
0x59: {  	_ =	shalt  }
0x5a: {  	_ =	shalt  }
0x5b: {  	_ =	shalt  }
0x5c: {  	_ =	shalt  }
0x5d: {  	_ =	shalt  }
0x5e: {  	_ =	shalt  }
0x5f: {  	_ =	shalt  }
0x60: {  	_ =	shalt  }
0x61: {  	_ =	shalt  }
0x62: {  	_ =	shalt  }
0x63: {  	_ =	shalt  }
0x64: {  	_ =	shalt  }
0x65: {  	_ =	shalt  }
0x66: {  	_ =	shalt  }
0x67: {  	_ =	shalt  }
0x68: {  	_ =	shalt  }
0x69: {  	_ =	shalt  }
0x6a: {  	_ =	shalt  }
0x6b: {  	_ =	shalt  }
0x6c: {  	_ =	shalt  }
0x6d: {  	_ =	shalt  }
0x6e: {  	_ =	shalt  }
0x6f: {  	_ =	shalt  }
0x70: {  	_ =	shalt  }
0x71: {  	_ =	shalt  }
0x72: {  	_ =	shalt  }
0x73: {  	_ =	shalt  }
0x74: {  	_ =	shalt  }
0x75: {  	_ =	shalt  }
0x76: {  	_ =	shalt  }
0x77: {  	_ =	shalt  }
0x78: {  	_ =	shalt  }
0x79: {  	_ =	shalt  }
0x7a: {  	_ =	shalt  }
0x7b: {  	_ =	shalt  }
0x7c: {  	_ =	shalt  }
0x7d: {  	_ =	shalt  }
0x7e: {  	_ =	shalt  }
0x7f: {  	_ =	shalt  }
0x80: {  	_ =	shalt  }
0x81: {  	_ =	shalt  }
0x82: {  	_ =	shalt  }
0x83: {  	_ =	shalt  }
0x84: {  	_ =	shalt  }
0x85: {  	_ =	shalt  }
0x86: {  	_ =	shalt  }
0x87: {  	_ =	shalt  }
.Lfunc_end0:
.L_simem_size_0:
called_computation_lowered:
.L_overlay_start_0:
0x88: {  	s2 =	sld [smem:$0x3FD9]  }
0x89: {  	s3 =	sld [smem:$0x3FFE];
	_ =	sdelay $0x1  }
0x8a: {  	s1 =	srdreg.scid  }
0x8b: {  	s0 =	sand.u32 $0x1, s1  }
0x8c: {  	s17 =	sshll.u32 s0, $0xA;
	s2 =	sadd.s32 s3, s2  }
0x8d: {  	s2 =	sadd.s32 s2, s17  }
0x8e: {  	[smem:$0x3FC3] =	sst s2  }
0x8f: {  	_ = 	snop  }
0x90: {  	s2 =	sld [smem:$0x3FC7]  }
0x91: {  	s18 =	sld [smem:$0x3FD0];
	(tm) =	ssettm $0x1  }
0x92: {  	s4 =	sld [smem:$0x3FFB];
	_ =	sdelay $0x3  }
0x93: {  	_ =	strace s4  }
0x94: {  	s4 =	sld [smem:$0x3FFC];
	_ =	sdelay $0x3  }
0x95: {  	_ =	strace s4  }
0x96: {  	s4 =	sld [smem:$0x3FFD];
	_ =	sdelay $0x3  }
0x97: {  	_ =	strace s4  }
0x98: {  	_ =	strace $0x8FFFFFFF  }
0x99: {  	s19 =	sld [smem:$0x3FDB];
	_ =	sdelay $0x1  }
0x9a: {  	s5 =	simm.s32 $_scs_section_size  }
0x9b: {  	s6 =	simm.s32 $_size__tile_overlayer_lowered;
	s7 =	simm.s32 $_tile_overlayer_lowered  }
0x9c: {  	s22 =	simm.s32 $0x1BFF;
	s21 =	sshll.u32 s7, $0x1;
	s4 =	sadd.s32 s5, s19  }
0x9d: {  	s8 =	simm.s32 $0x0;
	s20 =	sshll.u32 s6, $0x1;
	s6 =	sadd.s32 s21, s4  }
0x9e: {  	[timem:s8], [sflag:s22] =	dma.local [hbm:s6], s20  }
0x9f: {  	_ =	swait.ge [sflag:s22], s20  }
0xa0: {  	s5 =	ssub.s32 $0x0, s20;
	[sflag:s22] =	ssyncset.done $0x0  }
0xa1: {  	[sflag:s22] =	ssyncadd.s32 s5;
	_ =	sdelay $0x1  }
0xa2: {  	s23 =	simm.s32 $0x1B8B  }
0xa3: {  	_ =	swait.ge [sflag:s23], $0x1  }
0xa4: {  	[sflag:s23] =	ssyncset.done $0x0  }
0xa5: {  	s25 =	simm.s32 $0x1B8E;
	s24 =	sld [smem:$0x3FFE];
	[sflag:s23] =	ssyncadd.s32 $0xFFFFFFFF  }
0xa6: {  	s26 =	simm.s32 $execute0_lowered;
	[smem:$0x3FD2] =	sst s25  }
0xa7: {  	s6 =	sshll.u32 s26, $0x1;
	_ =	strace $0x80000046;
	[dreg:$0x1] =	wrdreg $0xFFFFFFFF  }
0xa8: {  	s28 =	simm.s32 $_size_execute0_lowered;
	s4 =	sadd.s32 s4, s6;
	[dreg:$0x0] =	wrdreg $0x0  }
0xa9: {  	s6 =	sshll.u32 s28, $0x1;
	[dreg:$0x2] =	wrdreg s4  }
0xaa: {  	[dreg:$0x3] =	wrdreg s6  }
0xab: {  	[dreg:$0x4] =	wrdreg $0xC0  }
0xac: {  	_ =	task [dreg:s8], $0x5FFFF  }
0xad: {  	[dreg:$0x1] =	wrdreg $0xFFFFFFFF  }
0xae: {  	[dreg:$0x0] =	wrdreg $0x60  }
0xaf: {  	[dreg:$0x2] =	wrdreg s18  }
0xb0: {  	[dreg:$0x3] =	wrdreg s24  }
0xb1: {  	[dreg:$0x4] =	wrdreg s2  }
0xb2: {  	[dreg:$0x5] =	wrdreg $0x9  }
0xb3: {  	_ =	task.clear_ibuf [dreg:s8], $0x6FFFF;
	_ =	strace $0x90000046  }
0xb4: {  	s29 =	simm.s32 $0x9;
	_ =	strace $0x80000048  }
0xb5: {  	_ =	swait.ge [sflag:s29], $0x1  }
0xb6: {  	[sflag:s29] =	ssyncadd.s32 $0xFFFFFFFF  }
0xb7: {  	_ =	strace $0x90000048  }
0xb8: {  	_ =	sfence  }
0xb9: {  	s30 =	sld [smem:$0x0];
	_ =	sdelay $0x2  }
0xba: {  	s31 =	sshll.u32 s1, $0xD;
	s1 =	sshrl.u32 s1, $0x2  }
0xbb: {  	s3 =	sand.u32 $0x4000, s31;
	s1 =	sadd.s32 s1, s30  }
0xbc: {  	s0 =	sor.u32 s3, s0;
	s1 =	sshll.u32 s1, $0x11  }
0xbd: {  	s0 =	sor.u32 s1, s0  }
0xbe: {  	s0 =	sadd.s32 $0x8F2B, s0  }
0xbf: {  	[sflag:s0] =	ssyncadd.remote.s32 $0x1  }
0xc0: {  	_ =	sfence.sel $0xFFFF  }
0xc1: {  	[dreg:$0x0] =	wrdreg $0xFFFFFFFF;
	(pc) =	sbr.abs _section_cstart, $3  }
0xc2: {  	[dreg:$0x1] =	wrdreg $0xFFFFFFFF  }
0xc3: {  	_ =	task.clear_ibuf [dreg:s8], $0x2FFFF;
	_ =	strace $0x9FFFFFFF  }
0xc4: {  	(tm) =	ssettm $0x7FFFFFFF  }
0xc5: {  	_ =	shalt  }
tec
execute0_lowered:
.L_overlay_start_1:
0x0: {  	(tag) =	ssettag $0x1  }
0x1: {  	s1 =	rddreg [dreg:$0x0]  }
0x2: {  	s2 =	rddreg [dreg:$0x1]  }
0x3: {  	s4 =	simm.s32 $0x0;
	s0 =	srdreg.scid;
	s10 =	stileid.u32  }
0x4: {  	s20 =	simm.s32 $0x80;
	s28 =	simm.s32 $0x6980;
	s29 =	simm.s32 $0x7180  }
0x5: {  	s30 =	simm.s32 $0x7A00;
	s31 =	simm.s32 $0x2100;
	[smem:$0x7FF] =	sst s4  }
0x6: {  	s0 =	sand.u32 $0x1, s0;
	s6 =	sadd.s32 $0x8000, s2;
	s7 =	sshll.u32 s10, $0x5  }
0x7: {  	s15 =	sshll.u32 s10, $0xE;
	_ =	strace $0x80000047;
	s3 =	ssub.s32 $0x2, s0  }
0x8: {  	s9 =	sshll.u32 s0, $0xE;
	s8 =	sadd.s32 $0x20, s7;
	s11 =	sshll.u32 s0, $0x5  }
0x9: {  	s0 =	simm.s32 $0x8200;
	s5 =	sshrl.u32 s3, $0x1;
	s21 =	sadd.s32 s1, s9  }
0xa: {  	s22 =	sadd.s32 s2, s9;
	s23 =	sor.u32 $0x10, s9;
	s14 =	sor.u32 $0x1, s11  }
.Ltmp0:
0xb: {  	s16 =	sor.u32 $0x2, s11;
	[dreg:$0x4] =	wrdreg s21;
	(pc) =	sbr.rel .LBB2_1-.Ltmp0, $4  }
0xc: {  	s9 =	simm.s32 $0x0;
	[dreg:$0x5] =	wrdreg s22;
	s24 =	sadd.s32 s1, s23  }
0xd: {  	s3 =	ssub.s32 s3, s5;
	s25 =	sadd.s32 s2, s23;
	[dreg:$0x6] =	wrdreg s24  }
0xe: {  	s21 =	simm.s32 $0x100;
	[dreg:$0x7] =	wrdreg s25;
	s26 =	smax.u32 s3, $0x1  }
0xf: {  	v1 =	vimm.s32 $0xFFFFFFFF;
	v2 =	vimm.f32 $0.0e+00;
	v0 =	vmov s7;
	s25 =	simm.s32 $0x1;
	[dreg:$0x8] =	wrdreg s26;
	s26 =	simm.s32 $0x6100  }
.LBB2_39:
0x10: {  	v3 =	vld [tilespmem:s11+$0xC21E];
	_ =	sdelay $0x4  }
0x11: {  	(v2sf) =	vpush v3, $0x0;
	_ =	sdelay $0xe  }
0x12: {  	s3 =	spop (v2sf)  }
0x13: {  	p0 =	sge.s32 s7, s3  }
0x14: {  	s3 =	simm.s32 @!p0 $0x2  }
0x15: {  	_ =	swait.ge @!p0 [sflag:s3], $0x4000  }
0x16: {  	[sflag:s3] =	ssyncset.done @!p0 $0x0  }
0x17: {  	[sflag:s3] =	ssyncadd.s32 @!p0 $0xFFFFC000  }
0x18: {  	v3 =	vld [tilespmem:s11+$0xC21F];
	_ =	sdelay $0x4  }
0x19: {  	(v2sf) =	vpush v3, $0x0;
	_ =	sdelay $0xe  }
0x1a: {  	s24 =	spop (v2sf)  }
0x1b: {  	p0 =	sge.s32 s7, s24  }
0x1c: {  	s3 =	simm.s32 @!p0 $0x3  }
0x1d: {  	_ =	swait.ge @!p0 [sflag:s3], $0x4000  }
0x1e: {  	s9 =	rddreg [dreg:$0x9]  }
0x1f: {  	s5 =	rddreg [dreg:$0x8];
	s9 =	sadd.s32 $0x1, s9  }
0x20: {  	p1 =	sne.s32 s9, s5  }
.Ltmp1:
0x21: {  	_ = 	snop;
	(pc) =	sbr.rel @!p1 .LBB2_40-.Ltmp1, $3  }
0x22: {  	_ =	sdelay $0x1  }
0x23: {  	[sflag:s3] =	ssyncset.done @!p0 $0x0  }
0x24: {  	[sflag:s3] =	ssyncadd.s32 @!p0 $0xFFFFC000  }
.LBB2_1:
0x25: {  	[dreg:$0x9] =	wrdreg s9  }
0x26: {  	s3 =	rddreg [dreg:$0x2];
	s5 =	simm.s32 $0xC200;
	s12 =	simm.s32 $0x4  }
0x27: {  	[tilespmem:s5], [sflag:$0x4] =	stream.linear.gather [hbm4b:s3+s4], $0x40, $0x38;
	[tilespmem:$0xC280] =	vst v63  }
0x28: {  	_ =	swait.ge [sflag:s12], $0x40  }
0x29: {  	[sflag:s12] =	ssyncset.done $0x0  }
0x2a: {  	s13 =	rddreg [dreg:$0x4];
	[sflag:s12] =	ssyncadd.s32 $0xFFFFFFC0  }
0x2b: {  	[tilespmem:s4], [sflag:$0x1] =	stream.strided.gather [hbm4b:s13+s20], $0x800, s21, s20, $0x38;
	[tilespmem:$0xC280] =	vst v63  }
0x2c: {  	s18 =	simm.s32 $0x880;
	s17 =	rddreg [dreg:$0x5]  }
0x2d: {  	[tilespmem:s18], [sflag:$0x1] =	stream.strided.gather [hbm4b:s17+s20], $0x800, s21, s20, $0x38;
	[tilespmem:$0xC280] =	vst v63  }
.Ltmp2:
0x2e: {  	_ = 	snop;
	(pc) =	sbr.rel .LBB2_2-.Ltmp2, $4  }
0x2f: {  	s22 =	simm.s32 $0x1080;
	s19 =	rddreg [dreg:$0x6]  }
0x30: {  	[tilespmem:s22], [sflag:$0x1] =	stream.strided.gather [hbm4b:s19+s20], $0x800, s21, s20, $0x38;
	[tilespmem:$0xC280] =	vst v63  }
0x31: {  	s24 =	simm.s32 $0x1900;
	s3 =	simm.s32 $0x0;
	s23 =	rddreg [dreg:$0x7]  }
0x32: {  	[tilespmem:s24], [sflag:$0x1] =	stream.strided.gather [hbm4b:s23+s20], $0x800, s21, s20, $0x38;
	[tilespmem:$0xC280] =	vst v63  }
.LBB2_32:
0x33: {  	s12 =	smov.u32 s9  }
.LBB2_36:
0x34: {  	v6 =	vld [tilespmem:s10+$0x0]  }
0x35: {  	v7 =	vshrl.u32 v5, $0x9  }
0x36: {  	vm0 =	vge.s32 v5, v4;
	vm2 =	vlt.s32 v5, v3;
	v7 =	vand.u32 $0x1F8, v7  }
0x37: {  	v59 =	vshll.u32 v5, $0x3;
	v60 =	vshrl.u32 v5, $0x2;
	v3 =	vsub.s32 v7, v0  }
0x38: {  	v4 =	vand.u32 $0xC00, v59;
	vm0 =	vmand vm0, vm2;
	v3 =	vshll.u32 v3, $0x9  }
0x39: {  	s5 =	sadd.s32 @p0 $0x10, s12;
	v61 =	vand.u32 $0x380, v60;
	v3 =	vor.u32 v4, v3;
	vm1 =	vne.s32 v5, v6  }
0x3a: {  	v62 =	vand.u32 $0x7F, v5;
	s9 =	smov.u32 @p0 s5;
	v3 =	vor.u32 v61, v3;
	vm0 =	vmand vm0, vm1  }
0x3b: {  	v63 =	vld [tilespmem:s9+$0x0];
	v3 =	vor.u32 v62, v3;
	_ =	sdelay $0x4  }
0x3c: {  	[tilespmem:v3+s0+$0x0] =	vst.idx.msk vm0, v63  }
.LBB2_37:
0x3d: {  	s5 =	sshrl.u32 s18, $0x3  }
0x3e: {  	s5 =	sadd.s32 s6, s5  }
0x3f: {  	[hbm4b:s5+s4] =	stream.linear.scatter [tilespmem:s0], [sflag:$0x3], $0x4000, $0x38;
	[tilespmem:$0xC280] =	vst v63  }
.LBB2_38:
0x40: {  	s3 =	sadd.s32 $0x1, s3  }
0x41: {  	p0 =	sne.s32 s3, $0x10  }
.Ltmp3:
0x42: {  	_ = 	snop;
	(pc) =	sbr.rel @!p0 .LBB2_39-.Ltmp3, $1  }
0x43: {  	_ =	sdelay $0x3  }
.LBB2_2:
0x44: {  	s22 =	sshll.u32 s3, $0x1  }
0x45: {  	s9 =	sor.u32 s11, s22  }
0x46: {  	v3 =	vld [tilespmem:s9+$0xC1FE];
	_ =	sdelay $0x4  }
0x47: {  	(v2sf) =	vpush v3, $0x0;
	_ =	sdelay $0xe  }
0x48: {  	p0 =	seq.s32 s3, $0x0;
	s10 =	spop (v2sf)  }
0x49: {  	p1 =	sge.s32 @!p0 s7, s10  }
0x4a: {  	p1 =	por p1, p0  }
0x4b: {  	s10 =	simm.s32 @!p1 $0x2  }
0x4c: {  	_ =	swait.ge @!p1 [sflag:s10], $0x4000  }
0x4d: {  	[sflag:s10] =	ssyncset.done @!p1 $0x0  }
0x4e: {  	[sflag:s10] =	ssyncadd.s32 @!p1 $0xFFFFC000  }
0x4f: {  	_ =	swait.ge [sflag:s25], $0x800  }
0x50: {  	[sflag:s25] =	ssyncset.done $0x0  }
0x51: {  	[sflag:s25] =	ssyncadd.s32 $0xFFFFF800  }
0x52: {  	_ =	swait.ge [sflag:s25], $0x800  }
0x53: {  	[sflag:s25] =	ssyncset.done $0x0  }
0x54: {  	[sflag:s25] =	ssyncadd.s32 $0xFFFFF800  }
0x55: {  	_ =	swait.ge [sflag:s25], $0x800  }
0x56: {  	[sflag:s25] =	ssyncset.done $0x0  }
0x57: {  	[sflag:s25] =	ssyncadd.s32 $0xFFFFF800  }
0x58: {  	_ =	swait.ge [sflag:s25], $0x800  }
0x59: {  	[sflag:s25] =	ssyncset.done $0x0  }
0x5a: {  	s18 =	sor.u32 s14, s22;
	[sflag:s25] =	ssyncadd.s32 $0xFFFFF800  }
0x5b: {  	s19 =	sshll.u32 s18, $0x9;
	[tilespmem:$0x800] =	vst v1  }
0x5c: {  	s12 =	sadd.s32 s1, s19;
	[tilespmem:$0x1880] =	vst v1  }
0x5d: {  	[tilespmem:s26], [sflag:$0x1] =	stream.strided.gather [hbm4b:s12+s20], $0x800, s21, s20, $0x38;
	[tilespmem:$0xC280] =	vst v63  }
0x5e: {  	s23 =	sadd.s32 s2, s19;
	s10 =	sor.u32 $0x10, s19  }
0x5f: {  	[tilespmem:s28], [sflag:$0x1] =	stream.strided.gather [hbm4b:s23+s20], $0x800, s21, s20, $0x38;
	[tilespmem:$0xC280] =	vst v63  }
0x60: {  	s24 =	sadd.s32 s1, s10  }
0x61: {  	[tilespmem:s29], [sflag:$0x1] =	stream.strided.gather [hbm4b:s24+s20], $0x800, s21, s20, $0x38;
	[tilespmem:$0xC280] =	vst v63  }
0x62: {  	s10 =	sadd.s32 s2, s10  }
0x63: {  	[tilespmem:s30], [sflag:$0x1] =	stream.strided.gather [hbm4b:s10+s20], $0x800, s21, s20, $0x38;
	[tilespmem:$0xC280] =	vst v63  }
0x64: {  	v3 =	vld [tilespmem:s9+$0xC200];
	_ =	sdelay $0x4  }
0x65: {  	(v2sf) =	vpush v3, $0x0;
	_ =	sdelay $0xe  }
0x66: {  	s24 =	spop (v2sf)  }
0x67: {  	p1 =	sge.s32 s7, s24  }
.Ltmp4:
0x68: {  	_ = 	snop;
	(pc) =	sbr.rel @p1 .LBB2_20-.Ltmp4, $1  }
0x69: {  	_ =	sdelay $0x3  }
0x6a: {  	s10 =	simm.s32 $0x0  }
0x6b: {  	s12 =	sand.u32 $0x3000, s10;
	s13 =	sand.u32 $0xC00, s10  }
0x6c: {  	s10 =	sand.u32 $0x380, s10;
	s12 =	sor.u32 s13, s12  }
0x6d: {  	s10 =	sor.u32 s10, s12  }
0x6e: {  	[tilespmem:s10+$0x2170] =	vst v2  }
0x6f: {  	[tilespmem:s10+$0x2100] =	vst v2  }
0x70: {  	[tilespmem:s10+$0x2110] =	vst v2  }
0x71: {  	s17 =	simm.s32 $0x400;
	[tilespmem:s10+$0x2120] =	vst v2  }
0x72: {  	s23 =	simm.s32 $0x80;
	s13 =	simm.s32 $0x20;
	s12 =	simm.s32 $0x0;
	[tilespmem:s10+$0x2130] =	vst v2  }
.LBB2_4:
0x73: {  	s19 =	sand.u32 $0x3000, s23;
	s5 =	sand.u32 $0xC00, s17;
	s12 =	sadd.s32 $0x8, s12;
	[tilespmem:s10+$0x2140] =	vst v2  }
0x74: {  	s26 =	sand.u32 $0x380, s13;
	s5 =	sor.u32 s5, s19;
	p1 =	slt.u32 s12, $0x3F8;
	[tilespmem:s10+$0x2150] =	vst v2  }
0x75: {  	[tilespmem:s10+$0x2160] =	vst v2;
	s10 =	sor.u32 s26, s5  }
.Ltmp5:
0x76: {  	[tilespmem:s10+$0x2170] =	vst v2;
	(pc) =	sbr.rel @p1 .LBB2_4-.Ltmp5, $4  }
0x77: {  	[tilespmem:s10+$0x2100] =	vst v2  }
0x78: {  	[tilespmem:s10+$0x2110] =	vst v2  }
0x79: {  	[tilespmem:s10+$0x2120] =	vst v2  }
0x7a: {  	s13 =	sadd.s32 $0x20, s13;
	s17 =	sadd.s32 $0x400, s17;
	s23 =	sadd.s32 $0x80, s23;
	[tilespmem:s10+$0x2130] =	vst v2  }
0x7b: {  	[tilespmem:s10+$0x2140] =	vst v2  }
0x7c: {  	[tilespmem:s10+$0x2150] =	vst v2  }
0x7d: {  	[tilespmem:s10+$0x2160] =	vst v2  }
0x7e: {  	v3 =	vld [tilespmem:$0x400];
	_ =	sdelay $0x4  }
0x7f: {  	(v2sf) =	vpush v3, $0x0;
	_ =	sdelay $0xd  }
0x80: {  	s12 =	sshll.u32 s9, $0x12  }
0x81: {  	s23 =	sor.u32 s15, s12;
	s17 =	spop (v2sf)  }
0x82: {  	s5 =	simm.s32 $0x600;
	p1 =	slt.s32 s17, s23  }
0x83: {  	s5 =	simm.s32 @!p1 $0x200  }
0x84: {  	v3 =	vld [tilespmem:s5+$0x0];
	_ =	sdelay $0x4  }
0x85: {  	(v2sf) =	vpush v3, $0x0;
	_ =	sdelay $0xe  }
0x86: {  	s10 =	simm.s32 $0x800;
	s13 =	spop (v2sf)  }
0x87: {  	s9 =	simm.s32 $0x401;
	s10 =	simm.s32 @!p1 $0x400;
	p2 =	slt.s32 s13, s23  }
0x88: {  	s9 =	simm.s32 @!p1 $0x0;
	s13 =	sor.u32 $0x1, s5;
	s5 =	smov.u32 @p2 s10  }
0x89: {  	s9 =	smov.u32 @p2 s13;
	s10 =	sadd.s32 $0xFFFFFFFF, s5  }
0x8a: {  	s13 =	sxor.u32 s10, s9  }
0x8b: {  	s10 =	sor.u32 s10, s9;
	s13 =	sshrl.u32 s13, $0x1  }
0x8c: {  	s10 =	ssub.s32 s10, s13  }
0x8d: {  	v3 =	vld [tilespmem:s10+$0x0];
	_ =	sdelay $0x4  }
0x8e: {  	(v2sf) =	vpush v3, $0x0;
	_ =	sdelay $0xe  }
0x8f: {  	s19 =	spop (v2sf)  }
0x90: {  	s13 =	sor.u32 $0x1, s10;
	p1 =	slt.s32 s19, s23  }
0x91: {  	s9 =	smov.u32 @p1 s13;
	s10 =	smov.u32 @p1 s5  }
0x92: {  	s5 =	sxor.u32 s9, s10  }
0x93: {  	s13 =	sand.u32 s9, s10;
	s5 =	sshrl.u32 s5, $0x1  }
0x94: {  	s5 =	sadd.s32 s5, s13  }
0x95: {  	v3 =	vld [tilespmem:s5+$0x0];
	_ =	sdelay $0x4  }
0x96: {  	(v2sf) =	vpush v3, $0x0;
	_ =	sdelay $0xe  }
0x97: {  	s26 =	spop (v2sf)  }
0x98: {  	s13 =	sadd.s32 $0x1, s5;
	p1 =	slt.s32 s26, s23  }
0x99: {  	s9 =	smov.u32 @p1 s13;
	s5 =	smov.u32 @p1 s10  }
0x9a: {  	s10 =	sxor.u32 s9, s5  }
0x9b: {  	s13 =	sand.u32 s9, s5;
	s10 =	sshrl.u32 s10, $0x1  }
0x9c: {  	s10 =	sadd.s32 s10, s13  }
0x9d: {  	v3 =	vld [tilespmem:s10+$0x0];
	_ =	sdelay $0x4  }
0x9e: {  	(v2sf) =	vpush v3, $0x0;
	_ =	sdelay $0xe  }
0x9f: {  	s19 =	spop (v2sf)  }
0xa0: {  	s13 =	sadd.s32 $0x1, s10;
	p1 =	slt.s32 s19, s23  }
0xa1: {  	s9 =	smov.u32 @p1 s13;
	s10 =	smov.u32 @p1 s5  }
0xa2: {  	s5 =	sadd.s32 s9, s10  }
0xa3: {  	s5 =	sshrl.u32 s5, $0x1  }
0xa4: {  	v3 =	vld [tilespmem:s5+$0x0];
	_ =	sdelay $0x4  }
0xa5: {  	(v2sf) =	vpush v3, $0x0;
	_ =	sdelay $0xe  }
0xa6: {  	s26 =	spop (v2sf)  }
0xa7: {  	s13 =	sadd.s32 $0x1, s5;
	p1 =	slt.s32 s26, s23  }
0xa8: {  	s9 =	smov.u32 @p1 s13;
	s5 =	smov.u32 @p1 s10  }
0xa9: {  	s10 =	sadd.s32 s9, s5  }
0xaa: {  	s10 =	sshrl.u32 s10, $0x1  }
0xab: {  	v3 =	vld [tilespmem:s10+$0x0];
	_ =	sdelay $0x4  }
0xac: {  	(v2sf) =	vpush v3, $0x0;
	_ =	sdelay $0xe  }
0xad: {  	s19 =	spop (v2sf)  }
0xae: {  	s13 =	sadd.s32 $0x1, s10;
	p1 =	slt.s32 s19, s23  }
0xaf: {  	s9 =	smov.u32 @p1 s13;
	s10 =	smov.u32 @p1 s5  }
0xb0: {  	s5 =	sadd.s32 s9, s10  }
0xb1: {  	s5 =	sshrl.u32 s5, $0x1  }
0xb2: {  	v3 =	vld [tilespmem:s5+$0x0];
	_ =	sdelay $0x4  }
0xb3: {  	(v2sf) =	vpush v3, $0x0;
	_ =	sdelay $0xe  }
0xb4: {  	s26 =	spop (v2sf)  }
0xb5: {  	s13 =	sadd.s32 $0x1, s5;
	p1 =	slt.s32 s26, s23  }
0xb6: {  	s9 =	smov.u32 @p1 s13;
	s5 =	smov.u32 @p1 s10  }
0xb7: {  	s10 =	sadd.s32 s9, s5  }
0xb8: {  	s10 =	sshrl.u32 s10, $0x1  }
0xb9: {  	v3 =	vld [tilespmem:s10+$0x0];
	_ =	sdelay $0x4  }
0xba: {  	(v2sf) =	vpush v3, $0x0;
	_ =	sdelay $0xe  }
0xbb: {  	p1 =	slt.s32 s8, s24;
	s19 =	spop (v2sf)  }
0xbc: {  	s24 =	smov.u32 @p1 s8;
	s13 =	sadd.s32 $0x1, s10;
	p2 =	slt.s32 s19, s23  }
0xbd: {  	s26 =	sshll.u32 s24, $0x9;
	s9 =	smov.u32 @p2 s13;
	s10 =	smov.u32 @p2 s5  }
0xbe: {  	s24 =	sadd.s32 s12, s26;
	s13 =	sadd.s32 s9, s10  }
0xbf: {  	p1 =	slt.s32 s17, s24;
	s5 =	simm.s32 $0x600;
	s13 =	sshrl.u32 s13, $0x1  }
0xc0: {  	s5 =	simm.s32 @!p1 $0x200;
	v3 =	vld [tilespmem:s13+$0x0]  }
0xc1: {  	v4 =	vld [tilespmem:s5+$0x0];
	_ =	sdelay $0x3  }
0xc2: {  	(v2sf) =	vpush v3, $0x0  }
0xc3: {  	(v2sf) =	vpush v4, $0x0;
	_ =	sdelay $0xd  }
0xc4: {  	s17 =	spop (v2sf)  }
0xc5: {  	s19 =	simm.s32 $0x800;
	s26 =	spop (v2sf)  }
0xc6: {  	s12 =	simm.s32 $0x401;
	s19 =	simm.s32 @!p1 $0x400;
	p2 =	slt.s32 s26, s24  }
0xc7: {  	s12 =	simm.s32 @!p1 $0x0;
	s26 =	sor.u32 $0x1, s5;
	s5 =	smov.u32 @p2 s19  }
0xc8: {  	s12 =	smov.u32 @p2 s26;
	s19 =	sadd.s32 $0xFFFFFFFF, s5  }
0xc9: {  	s26 =	sxor.u32 s19, s12  }
0xca: {  	s19 =	sor.u32 s19, s12;
	s26 =	sshrl.u32 s26, $0x1  }
0xcb: {  	s19 =	ssub.s32 s19, s26  }
0xcc: {  	v3 =	vld [tilespmem:s19+$0x0];
	_ =	sdelay $0x4  }
0xcd: {  	(v2sf) =	vpush v3, $0x0;
	_ =	sdelay $0xe  }
0xce: {  	s26 =	spop (v2sf)  }
0xcf: {  	p1 =	slt.s32 s26, s24;
	s26 =	sor.u32 $0x1, s19  }
0xd0: {  	s12 =	smov.u32 @p1 s26;
	s19 =	smov.u32 @p1 s5  }
0xd1: {  	s5 =	sxor.u32 s12, s19  }
0xd2: {  	s26 =	sand.u32 s12, s19;
	s5 =	sshrl.u32 s5, $0x1  }
0xd3: {  	s5 =	sadd.s32 s5, s26  }
0xd4: {  	v3 =	vld [tilespmem:s5+$0x0];
	_ =	sdelay $0x4  }
0xd5: {  	(v2sf) =	vpush v3, $0x0;
	_ =	sdelay $0xe  }
0xd6: {  	s26 =	spop (v2sf)  }
0xd7: {  	p1 =	slt.s32 s26, s24;
	s26 =	sadd.s32 $0x1, s5  }
0xd8: {  	s12 =	smov.u32 @p1 s26;
	s5 =	smov.u32 @p1 s19  }
0xd9: {  	s19 =	sxor.u32 s12, s5  }
0xda: {  	s26 =	sand.u32 s12, s5;
	s19 =	sshrl.u32 s19, $0x1  }
0xdb: {  	s19 =	sadd.s32 s19, s26  }
0xdc: {  	v3 =	vld [tilespmem:s19+$0x0];
	_ =	sdelay $0x4  }
0xdd: {  	(v2sf) =	vpush v3, $0x0;
	_ =	sdelay $0xe  }
0xde: {  	s26 =	spop (v2sf)  }
0xdf: {  	p1 =	slt.s32 s26, s24;
	s26 =	sadd.s32 $0x1, s19  }
0xe0: {  	s12 =	smov.u32 @p1 s26;
	s19 =	smov.u32 @p1 s5  }
0xe1: {  	s5 =	sadd.s32 s12, s19  }
0xe2: {  	s5 =	sshrl.u32 s5, $0x1  }
0xe3: {  	v3 =	vld [tilespmem:s5+$0x0];
	_ =	sdelay $0x4  }
0xe4: {  	(v2sf) =	vpush v3, $0x0;
	_ =	sdelay $0xe  }
0xe5: {  	s26 =	spop (v2sf)  }
0xe6: {  	p1 =	slt.s32 s26, s24;
	s26 =	sadd.s32 $0x1, s5  }
0xe7: {  	s12 =	smov.u32 @p1 s26;
	s5 =	smov.u32 @p1 s19  }
0xe8: {  	s19 =	sadd.s32 s12, s5  }
0xe9: {  	s19 =	sshrl.u32 s19, $0x1  }
0xea: {  	v3 =	vld [tilespmem:s19+$0x0];
	_ =	sdelay $0x4  }
0xeb: {  	(v2sf) =	vpush v3, $0x0;
	_ =	sdelay $0xe  }
0xec: {  	s26 =	spop (v2sf)  }
0xed: {  	p1 =	slt.s32 s26, s24;
	s26 =	sadd.s32 $0x1, s19  }
0xee: {  	s12 =	smov.u32 @p1 s26;
	s19 =	smov.u32 @p1 s5  }
0xef: {  	s5 =	sadd.s32 s12, s19  }
0xf0: {  	s5 =	sshrl.u32 s5, $0x1  }
0xf1: {  	v3 =	vld [tilespmem:s5+$0x0];
	_ =	sdelay $0x4  }
0xf2: {  	(v2sf) =	vpush v3, $0x0;
	_ =	sdelay $0xe  }
0xf3: {  	s26 =	spop (v2sf)  }
0xf4: {  	p1 =	slt.s32 s26, s24;
	s26 =	sadd.s32 $0x1, s5  }
0xf5: {  	s12 =	smov.u32 @p1 s26;
	s5 =	smov.u32 @p1 s19  }
0xf6: {  	s19 =	sadd.s32 s12, s5  }
0xf7: {  	s19 =	sshrl.u32 s19, $0x1  }
0xf8: {  	v3 =	vld [tilespmem:s19+$0x0];
	_ =	sdelay $0x4  }
0xf9: {  	(v2sf) =	vpush v3, $0x0;
	_ =	sdelay $0xe  }
0xfa: {  	s26 =	spop (v2sf)  }
0xfb: {  	p1 =	slt.s32 s26, s24;
	s26 =	sadd.s32 $0x1, s19  }
0xfc: {  	s12 =	smov.u32 @p1 s26;
	s19 =	smov.u32 @p1 s5  }
0xfd: {  	s5 =	sadd.s32 s12, s19  }
0xfe: {  	s5 =	sshrl.u32 s5, $0x1  }
0xff: {  	v3 =	vld [tilespmem:s5+$0x0];
	_ =	sdelay $0x4  }
0x100: {  	(v2sf) =	vpush v3, $0x0;
	_ =	sdelay $0xe  }
0x101: {  	s26 =	spop (v2sf)  }
0x102: {  	p1 =	slt.s32 s26, s24;
	s26 =	sadd.s32 $0x1, s5  }
0x103: {  	s12 =	smov.u32 @p1 s26  }
0x104: {  	s5 =	smov.u32 @p1 s19;
	p1 =	slt.s32 s17, s23;
	s17 =	sadd.s32 $0x1, s13  }
0x105: {  	s9 =	smov.u32 @p1 s17;
	s13 =	smov.u32 @p1 s10;
	s5 =	sadd.s32 s12, s5  }
0x106: {  	s10 =	sadd.s32 s9, s13;
	s5 =	sshrl.u32 s5, $0x1  }
0x107: {  	s10 =	sshrl.u32 s10, $0x1;
	v3 =	vld [tilespmem:s5+$0x0]  }
0x108: {  	v4 =	vld [tilespmem:s10+$0x0];
	_ =	sdelay $0x3  }
0x109: {  	(v2sf) =	vpush v3, $0x0  }
0x10a: {  	(v2sf) =	vpush v4, $0x0;
	_ =	sdelay $0xd  }
0x10b: {  	s17 =	spop (v2sf)  }
0x10c: {  	s5 =	sadd.s32 $0x1, s5;
	p1 =	slt.s32 s17, s24;
	s19 =	spop (v2sf)  }
0x10d: {  	s12 =	smov.u32 @p1 s5;
	p1 =	slt.s32 s19, s23;
	s5 =	sadd.s32 $0x1, s10  }
0x10e: {  	s9 =	smov.u32 @p1 s5;
	s26 =	sadd.s32 $0xF, s12  }
0x10f: {  	s9 =	sshrl.u32 s9, $0x4;
	s10 =	sshrl.u32 s26, $0x4  }
0x110: {  	p1 =	sle.u32 s10, s9  }
.Ltmp6:
0x111: {  	_ = 	snop;
	(pc) =	sbr.rel @p1 .LBB2_12-.Ltmp6, $2  }
0x112: {  	_ =	sdelay $0x2  }
0x113: {  	v3 =	vmov s24;
	v4 =	vmov s23  }
0x114: {  	s12 =	ssub.s32 s10, s9  }
0x115: {  	p2 =	seq.s32 s12, $0x1  }
.Ltmp7:
0x116: {  	_ = 	snop;
	(pc) =	sbr.rel @p2 .LBB2_7-.Ltmp7, $4  }
0x117: {  	s5 =	sshll.u32 s9, $0x6  }
0x118: {  	s5 =	sshra.s32 s5, $0x2  }
0x119: {  	s10 =	sor.u32 $0x1, s5  }
0x11a: {  	p1 =	por $0x0, $0x0;
	s12 =	sadd.s32 $0xFFFFFFFF, s12;
	s9 =	sadd.s32 $0x880, s5;
	v5 =	vld [tilespmem:s10+$0xFFFFFFFF]  }
0x11b: {  	_ = 	snop  }
0x11c: {  	v6 =	vld [tilespmem:s10+$0x0];
	_ =	sdelay $0x2  }
0x11d: {  	v7 =	vshrl.u32 v5, $0x9  }
0x11e: {  	vm0 =	vge.s32 v5, v4;
	vm2 =	vlt.s32 v5, v3;
	v7 =	vand.u32 $0x1F8, v7  }
0x11f: {  	vm1 =	vne.s32 v5, v6;
	v6 =	vsub.s32 v7, v0;
	v7 =	vshll.u32 v5, $0x3  }
0x120: {  	v8 =	vshrl.u32 v5, $0x2;
	v6 =	vshll.u32 v6, $0x9;
	v7 =	vand.u32 $0xC00, v7  }
0x121: {  	vm0 =	vmand vm0, vm2;
	v6 =	vor.u32 v7, v6;
	v7 =	vand.u32 $0x380, v8  }
0x122: {  	vm0 =	vmand vm0, vm1;
	v5 =	vand.u32 $0x7F, v5;
	v6 =	vor.u32 v7, v6  }
0x123: {  	v7 =	vld [tilespmem:s9+$0x0];
	v5 =	vor.u32 v5, v6  }
0x124: {  	p2 =	seq.s32 s12, $0x1  }
.Ltmp8:
0x125: {  	_ = 	snop;
	(pc) =	sbr.rel @p2 .LBB2_9-.Ltmp8, $3  }
0x126: {  	_ =	sdelay $0x1  }
0x127: {  	s10 =	sadd.s32 $0x10, s10;
	[tilespmem:v5+s31+$0x0] =	vst.idx.msk vm0, v7  }
0x128: {  	s13 =	sadd.s32 $0xFFFFFFFF, s12;
	p1 =	por $0x1, $0x1;
	s12 =	smov.u32 s9;
	v5 =	vld [tilespmem:s10+$0xFFFFFFFF]  }
.LBB2_10:
0x129: {  	p2 =	seq.s32 s13, $0x1;
	v6 =	vld [tilespmem:s10+$0x0];
	_ =	sdelay $0x3  }
0x12a: {  	v7 =	vshrl.u32 v5, $0x9  }
0x12b: {  	vm0 =	vge.s32 v5, v4;
	v7 =	vand.u32 $0x1F8, v7;
	vm1 =	vne.s32 v5, v6  }
0x12c: {  	vm2 =	vlt.s32 v5, v3;
	v6 =	vsub.s32 v7, v0;
	v7 =	vshll.u32 v5, $0x3  }
0x12d: {  	v8 =	vshrl.u32 v5, $0x2;
	v6 =	vshll.u32 v6, $0x9;
	v7 =	vand.u32 $0xC00, v7  }
0x12e: {  	vm0 =	vmand vm0, vm2;
	v6 =	vor.u32 v7, v6;
	v7 =	vand.u32 $0x380, v8  }
0x12f: {  	s12 =	sadd.s32 $0x10, s12;
	vm0 =	vmand vm0, vm1;
	v5 =	vand.u32 $0x7F, v5;
	v6 =	vor.u32 v7, v6  }
0x130: {  	v7 =	vld [tilespmem:s12+$0x0];
	v5 =	vor.u32 v5, v6;
	_ =	sdelay $0x1  }
.Ltmp9:
0x131: {  	(pc) =	sbr.rel @!p2 .LBB2_10-.Ltmp9, $3  }
0x132: {  	_ =	sdelay $0x1  }
0x133: {  	s10 =	sadd.s32 $0x10, s10;
	[tilespmem:v5+s31+$0x0] =	vst.idx.msk vm0, v7  }
0x134: {  	s13 =	sadd.s32 $0xFFFFFFFF, s13;
	v5 =	vld [tilespmem:s10+$0xFFFFFFFF]  }
.LBB2_11:
0x135: {  	_ = 	snop  }
0x136: {  	v6 =	vld [tilespmem:s10+$0x0];
	_ =	sdelay $0x2  }
0x137: {  	v7 =	vshrl.u32 v5, $0x9  }
0x138: {  	vm0 =	vge.s32 v5, v4;
	vm2 =	vlt.s32 v5, v3;
	v7 =	vand.u32 $0x1F8, v7  }
0x139: {  	vm1 =	vne.s32 v5, v6;
	v6 =	vsub.s32 v7, v0;
	v7 =	vshll.u32 v5, $0x3  }
0x13a: {  	v8 =	vshrl.u32 v5, $0x2;
	v6 =	vshll.u32 v6, $0x9;
	v7 =	vand.u32 $0xC00, v7  }
0x13b: {  	s5 =	sadd.s32 @p1 $0x10, s12;
	vm0 =	vmand vm0, vm2;
	v6 =	vor.u32 v7, v6;
	v7 =	vand.u32 $0x380, v8  }
0x13c: {  	s9 =	smov.u32 @p1 s5;
	vm0 =	vmand vm0, vm1;
	v5 =	vand.u32 $0x7F, v5;
	v6 =	vor.u32 v7, v6  }
0x13d: {  	v7 =	vld [tilespmem:s9+$0x0];
	v5 =	vor.u32 v5, v6;
	_ =	sdelay $0x4  }
0x13e: {  	[tilespmem:v5+s31+$0x0] =	vst.idx.msk vm0, v7  }
.LBB2_12:
0x13f: {  	v5 =	vld [tilespmem:$0x1480];
	_ =	sdelay $0x4  }
0x140: {  	(v2sf) =	vpush v5, $0x0;
	_ =	sdelay $0xe  }
0x141: {  	s12 =	spop (v2sf)  }
0x142: {  	s5 =	simm.s32 $0x600;
	p1 =	slt.s32 s12, s23  }
0x143: {  	s5 =	simm.s32 @!p1 $0x200  }
0x144: {  	v5 =	vld [tilespmem:s5+$0x1080];
	_ =	sdelay $0x4  }
0x145: {  	(v2sf) =	vpush v5, $0x0;
	_ =	sdelay $0xe  }
0x146: {  	s10 =	simm.s32 $0x800;
	s13 =	spop (v2sf)  }
0x147: {  	s9 =	simm.s32 $0x401;
	s10 =	simm.s32 @!p1 $0x400;
	p2 =	slt.s32 s13, s23  }
0x148: {  	s9 =	simm.s32 @!p1 $0x0;
	s13 =	sor.u32 $0x1, s5;
	s5 =	smov.u32 @p2 s10  }
0x149: {  	s9 =	smov.u32 @p2 s13;
	s10 =	sadd.s32 $0xFFFFFFFF, s5  }
0x14a: {  	s13 =	sxor.u32 s10, s9  }
0x14b: {  	s10 =	sor.u32 s10, s9;
	s13 =	sshrl.u32 s13, $0x1  }
0x14c: {  	s10 =	ssub.s32 s10, s13  }
0x14d: {  	s13 =	sor.u32 $0x1080, s10  }
0x14e: {  	v5 =	vld [tilespmem:s13+$0x0];
	_ =	sdelay $0x4  }
0x14f: {  	(v2sf) =	vpush v5, $0x0;
	_ =	sdelay $0xe  }
0x150: {  	s17 =	spop (v2sf)  }
0x151: {  	s13 =	sor.u32 $0x1, s10;
	p1 =	slt.s32 s17, s23  }
0x152: {  	s9 =	smov.u32 @p1 s13;
	s10 =	smov.u32 @p1 s5  }
0x153: {  	s5 =	sxor.u32 s9, s10  }
0x154: {  	s13 =	sand.u32 s9, s10;
	s5 =	sshrl.u32 s5, $0x1  }
0x155: {  	s5 =	sadd.s32 s5, s13  }
0x156: {  	v5 =	vld [tilespmem:s5+$0x1080];
	_ =	sdelay $0x4  }
0x157: {  	(v2sf) =	vpush v5, $0x0;
	_ =	sdelay $0xe  }
0x158: {  	s19 =	spop (v2sf)  }
0x159: {  	s13 =	sadd.s32 $0x1, s5;
	p1 =	slt.s32 s19, s23  }
0x15a: {  	s9 =	smov.u32 @p1 s13;
	s5 =	smov.u32 @p1 s10  }
0x15b: {  	s10 =	sxor.u32 s9, s5  }
0x15c: {  	s13 =	sand.u32 s9, s5;
	s10 =	sshrl.u32 s10, $0x1  }
0x15d: {  	s10 =	sadd.s32 s10, s13  }
0x15e: {  	v5 =	vld [tilespmem:s10+$0x1080];
	_ =	sdelay $0x4  }
0x15f: {  	(v2sf) =	vpush v5, $0x0;
	_ =	sdelay $0xe  }
0x160: {  	s26 =	spop (v2sf)  }
0x161: {  	s13 =	sadd.s32 $0x1, s10;
	p1 =	slt.s32 s26, s23  }
0x162: {  	s9 =	smov.u32 @p1 s13;
	s10 =	smov.u32 @p1 s5  }
0x163: {  	s5 =	sadd.s32 s9, s10  }
0x164: {  	s5 =	sshrl.u32 s5, $0x1  }
0x165: {  	v5 =	vld [tilespmem:s5+$0x1080];
	_ =	sdelay $0x4  }
0x166: {  	(v2sf) =	vpush v5, $0x0;
	_ =	sdelay $0xe  }
0x167: {  	s17 =	spop (v2sf)  }
0x168: {  	s13 =	sadd.s32 $0x1, s5;
	p1 =	slt.s32 s17, s23  }
0x169: {  	s9 =	smov.u32 @p1 s13;
	s5 =	smov.u32 @p1 s10  }
0x16a: {  	s10 =	sadd.s32 s9, s5  }
0x16b: {  	s10 =	sshrl.u32 s10, $0x1  }
0x16c: {  	v5 =	vld [tilespmem:s10+$0x1080];
	_ =	sdelay $0x4  }
0x16d: {  	(v2sf) =	vpush v5, $0x0;
	_ =	sdelay $0xe  }
0x16e: {  	s19 =	spop (v2sf)  }
0x16f: {  	s13 =	sadd.s32 $0x1, s10;
	p1 =	slt.s32 s19, s23  }
0x170: {  	s9 =	smov.u32 @p1 s13;
	s10 =	smov.u32 @p1 s5  }
0x171: {  	s5 =	sadd.s32 s9, s10  }
0x172: {  	s5 =	sshrl.u32 s5, $0x1  }
0x173: {  	v5 =	vld [tilespmem:s5+$0x1080];
	_ =	sdelay $0x4  }
0x174: {  	(v2sf) =	vpush v5, $0x0;
	_ =	sdelay $0xe  }
0x175: {  	s26 =	spop (v2sf)  }
0x176: {  	s13 =	sadd.s32 $0x1, s5;
	p1 =	slt.s32 s26, s23  }
0x177: {  	s9 =	smov.u32 @p1 s13;
	s5 =	smov.u32 @p1 s10  }
0x178: {  	s10 =	sadd.s32 s9, s5  }
0x179: {  	s10 =	sshrl.u32 s10, $0x1  }
0x17a: {  	v5 =	vld [tilespmem:s10+$0x1080];
	_ =	sdelay $0x4  }
0x17b: {  	(v2sf) =	vpush v5, $0x0;
	_ =	sdelay $0xe  }
0x17c: {  	s17 =	spop (v2sf)  }
0x17d: {  	s13 =	sadd.s32 $0x1, s10;
	p1 =	slt.s32 s17, s23  }
0x17e: {  	s9 =	smov.u32 @p1 s13;
	s10 =	smov.u32 @p1 s5  }
0x17f: {  	s5 =	sadd.s32 s9, s10  }
0x180: {  	p1 =	slt.s32 s12, s24;
	s13 =	sshrl.u32 s5, $0x1;
	s5 =	simm.s32 $0x600  }
0x181: {  	v5 =	vld [tilespmem:s13+$0x1080];
	s5 =	simm.s32 @!p1 $0x200  }
0x182: {  	v6 =	vld [tilespmem:s5+$0x1080];
	_ =	sdelay $0x3  }
0x183: {  	(v2sf) =	vpush v5, $0x0  }
0x184: {  	(v2sf) =	vpush v6, $0x0;
	_ =	sdelay $0xd  }
0x185: {  	s17 =	spop (v2sf)  }
0x186: {  	s19 =	simm.s32 $0x800;
	s26 =	spop (v2sf)  }
0x187: {  	s12 =	simm.s32 $0x401;
	s19 =	simm.s32 @!p1 $0x400;
	p2 =	slt.s32 s26, s24  }
0x188: {  	s12 =	simm.s32 @!p1 $0x0;
	s26 =	sor.u32 $0x1, s5;
	s5 =	smov.u32 @p2 s19  }
0x189: {  	s12 =	smov.u32 @p2 s26;
	s19 =	sadd.s32 $0xFFFFFFFF, s5  }
0x18a: {  	s26 =	sxor.u32 s19, s12  }
0x18b: {  	s19 =	sor.u32 s19, s12;
	s26 =	sshrl.u32 s26, $0x1  }
0x18c: {  	s19 =	ssub.s32 s19, s26  }
0x18d: {  	s26 =	sor.u32 $0x1080, s19  }
0x18e: {  	v5 =	vld [tilespmem:s26+$0x0];
	_ =	sdelay $0x4  }
0x18f: {  	(v2sf) =	vpush v5, $0x0;
	_ =	sdelay $0xe  }
0x190: {  	s26 =	spop (v2sf)  }
0x191: {  	p1 =	slt.s32 s26, s24;
	s26 =	sor.u32 $0x1, s19  }
0x192: {  	s12 =	smov.u32 @p1 s26;
	s19 =	smov.u32 @p1 s5  }
0x193: {  	s5 =	sxor.u32 s12, s19  }
0x194: {  	s26 =	sand.u32 s12, s19;
	s5 =	sshrl.u32 s5, $0x1  }
0x195: {  	s5 =	sadd.s32 s5, s26  }
0x196: {  	v5 =	vld [tilespmem:s5+$0x1080];
	_ =	sdelay $0x4  }
0x197: {  	(v2sf) =	vpush v5, $0x0;
	_ =	sdelay $0xe  }
0x198: {  	s26 =	spop (v2sf)  }
0x199: {  	p1 =	slt.s32 s26, s24;
	s26 =	sadd.s32 $0x1, s5  }
0x19a: {  	s12 =	smov.u32 @p1 s26;
	s5 =	smov.u32 @p1 s19  }
0x19b: {  	s19 =	sxor.u32 s12, s5  }
0x19c: {  	s26 =	sand.u32 s12, s5;
	s19 =	sshrl.u32 s19, $0x1  }
0x19d: {  	s19 =	sadd.s32 s19, s26  }
0x19e: {  	v5 =	vld [tilespmem:s19+$0x1080];
	_ =	sdelay $0x4  }
0x19f: {  	(v2sf) =	vpush v5, $0x0;
	_ =	sdelay $0xe  }
0x1a0: {  	s26 =	spop (v2sf)  }
0x1a1: {  	p1 =	slt.s32 s26, s24;
	s26 =	sadd.s32 $0x1, s19  }
0x1a2: {  	s12 =	smov.u32 @p1 s26;
	s19 =	smov.u32 @p1 s5  }
0x1a3: {  	s5 =	sadd.s32 s12, s19  }
0x1a4: {  	s5 =	sshrl.u32 s5, $0x1  }
0x1a5: {  	v5 =	vld [tilespmem:s5+$0x1080];
	_ =	sdelay $0x4  }
0x1a6: {  	(v2sf) =	vpush v5, $0x0;
	_ =	sdelay $0xe  }
0x1a7: {  	s26 =	spop (v2sf)  }
0x1a8: {  	p1 =	slt.s32 s26, s24;
	s26 =	sadd.s32 $0x1, s5  }
0x1a9: {  	s12 =	smov.u32 @p1 s26;
	s5 =	smov.u32 @p1 s19  }
0x1aa: {  	s19 =	sadd.s32 s12, s5  }
0x1ab: {  	s19 =	sshrl.u32 s19, $0x1  }
0x1ac: {  	v5 =	vld [tilespmem:s19+$0x1080];
	_ =	sdelay $0x4  }
0x1ad: {  	(v2sf) =	vpush v5, $0x0;
	_ =	sdelay $0xe  }
0x1ae: {  	s26 =	spop (v2sf)  }
0x1af: {  	p1 =	slt.s32 s26, s24;
	s26 =	sadd.s32 $0x1, s19  }
0x1b0: {  	s12 =	smov.u32 @p1 s26;
	s19 =	smov.u32 @p1 s5  }
0x1b1: {  	s5 =	sadd.s32 s12, s19  }
0x1b2: {  	s5 =	sshrl.u32 s5, $0x1  }
0x1b3: {  	v5 =	vld [tilespmem:s5+$0x1080];
	_ =	sdelay $0x4  }
0x1b4: {  	(v2sf) =	vpush v5, $0x0;
	_ =	sdelay $0xe  }
0x1b5: {  	s26 =	spop (v2sf)  }
0x1b6: {  	p1 =	slt.s32 s26, s24;
	s26 =	sadd.s32 $0x1, s5  }
0x1b7: {  	s12 =	smov.u32 @p1 s26;
	s5 =	smov.u32 @p1 s19  }
0x1b8: {  	s19 =	sadd.s32 s12, s5  }
0x1b9: {  	s19 =	sshrl.u32 s19, $0x1  }
0x1ba: {  	v5 =	vld [tilespmem:s19+$0x1080];
	_ =	sdelay $0x4  }
0x1bb: {  	(v2sf) =	vpush v5, $0x0;
	_ =	sdelay $0xe  }
0x1bc: {  	s26 =	spop (v2sf)  }
0x1bd: {  	p1 =	slt.s32 s26, s24;
	s26 =	sadd.s32 $0x1, s19  }
0x1be: {  	s12 =	smov.u32 @p1 s26;
	s19 =	smov.u32 @p1 s5  }
0x1bf: {  	s5 =	sadd.s32 s12, s19  }
0x1c0: {  	s5 =	sshrl.u32 s5, $0x1  }
0x1c1: {  	v5 =	vld [tilespmem:s5+$0x1080];
	_ =	sdelay $0x4  }
0x1c2: {  	(v2sf) =	vpush v5, $0x0;
	_ =	sdelay $0xe  }
0x1c3: {  	s26 =	spop (v2sf)  }
0x1c4: {  	p1 =	slt.s32 s26, s24;
	s26 =	sadd.s32 $0x1, s5  }
0x1c5: {  	s12 =	smov.u32 @p1 s26  }
0x1c6: {  	s5 =	smov.u32 @p1 s19;
	p1 =	slt.s32 s17, s23;
	s17 =	sadd.s32 $0x1, s13  }
0x1c7: {  	s9 =	smov.u32 @p1 s17;
	s13 =	smov.u32 @p1 s10;
	s5 =	sadd.s32 s12, s5  }
0x1c8: {  	s10 =	sadd.s32 s9, s13;
	s5 =	sshrl.u32 s5, $0x1  }
0x1c9: {  	s10 =	sshrl.u32 s10, $0x1;
	v5 =	vld [tilespmem:s5+$0x1080]  }
0x1ca: {  	v6 =	vld [tilespmem:s10+$0x1080];
	_ =	sdelay $0x3  }
0x1cb: {  	(v2sf) =	vpush v5, $0x0  }
0x1cc: {  	(v2sf) =	vpush v6, $0x0;
	_ =	sdelay $0xd  }
0x1cd: {  	s19 =	spop (v2sf)  }
0x1ce: {  	s5 =	sadd.s32 $0x1, s5;
	p1 =	slt.s32 s19, s24;
	s24 =	spop (v2sf)  }
0x1cf: {  	s12 =	smov.u32 @p1 s5;
	p1 =	slt.s32 s24, s23;
	s5 =	sadd.s32 $0x1, s10  }
0x1d0: {  	s9 =	smov.u32 @p1 s5;
	s26 =	sadd.s32 $0xF, s12  }
0x1d1: {  	s9 =	sshrl.u32 s9, $0x4;
	s10 =	sshrl.u32 s26, $0x4  }
0x1d2: {  	p1 =	sgt.u32 s10, s9  }
.Ltmp10:
0x1d3: {  	_ = 	snop;
	(pc) =	sbr.rel @!p1 .LBB2_19-.Ltmp10, $2  }
0x1d4: {  	_ =	sdelay $0x2  }
0x1d5: {  	s26 =	simm.s32 $0x6100  }
0x1d6: {  	s12 =	ssub.s32 s10, s9  }
0x1d7: {  	p2 =	sne.s32 s12, $0x1  }
.Ltmp11:
0x1d8: {  	_ = 	snop;
	(pc) =	sbr.rel @!p2 .LBB2_14-.Ltmp11, $4  }
0x1d9: {  	s5 =	sshll.u32 s9, $0x6  }
0x1da: {  	s5 =	sshra.s32 s5, $0x2  }
0x1db: {  	s10 =	sadd.s32 $0x1081, s5  }
0x1dc: {  	p1 =	por $0x0, $0x0;
	s12 =	sadd.s32 $0xFFFFFFFF, s12;
	s9 =	sadd.s32 $0x1900, s5;
	v5 =	vld [tilespmem:s10+$0xFFFFFFFF]  }
0x1dd: {  	_ = 	snop  }
0x1de: {  	v6 =	vld [tilespmem:s10+$0x0];
	_ =	sdelay $0x2  }
0x1df: {  	v7 =	vshrl.u32 v5, $0x9  }
0x1e0: {  	vm0 =	vge.s32 v5, v4;
	vm2 =	vlt.s32 v5, v3;
	v7 =	vand.u32 $0x1F8, v7  }
0x1e1: {  	vm1 =	vne.s32 v5, v6;
	v6 =	vsub.s32 v7, v0;
	v7 =	vshll.u32 v5, $0x3  }
0x1e2: {  	v8 =	vshrl.u32 v5, $0x2;
	v6 =	vshll.u32 v6, $0x9;
	v7 =	vand.u32 $0xC00, v7  }
0x1e3: {  	vm0 =	vmand vm0, vm2;
	v6 =	vor.u32 v7, v6;
	v7 =	vand.u32 $0x380, v8  }
0x1e4: {  	vm0 =	vmand vm0, vm1;
	v5 =	vand.u32 $0x7F, v5;
	v6 =	vor.u32 v7, v6  }
0x1e5: {  	v7 =	vld [tilespmem:s9+$0x0];
	v5 =	vor.u32 v5, v6  }
0x1e6: {  	p2 =	sne.s32 s12, $0x1  }
.Ltmp12:
0x1e7: {  	_ = 	snop;
	(pc) =	sbr.rel @!p2 .LBB2_16-.Ltmp12, $3  }
0x1e8: {  	_ =	sdelay $0x1  }
0x1e9: {  	s10 =	sadd.s32 $0x10, s10;
	[tilespmem:v5+s31+$0x0] =	vst.idx.msk vm0, v7  }
0x1ea: {  	s13 =	sadd.s32 $0xFFFFFFFF, s12;
	p1 =	por $0x1, $0x1;
	s12 =	smov.u32 s9;
	v5 =	vld [tilespmem:s10+$0xFFFFFFFF]  }
.LBB2_17:
0x1eb: {  	p2 =	sne.s32 s13, $0x1;
	v6 =	vld [tilespmem:s10+$0x0];
	_ =	sdelay $0x3  }
0x1ec: {  	v7 =	vshrl.u32 v5, $0x9  }
0x1ed: {  	vm0 =	vge.s32 v5, v4;
	v7 =	vand.u32 $0x1F8, v7;
	vm1 =	vne.s32 v5, v6  }
0x1ee: {  	vm2 =	vlt.s32 v5, v3;
	v6 =	vsub.s32 v7, v0;
	v7 =	vshll.u32 v5, $0x3  }
0x1ef: {  	v8 =	vshrl.u32 v5, $0x2;
	v6 =	vshll.u32 v6, $0x9;
	v7 =	vand.u32 $0xC00, v7  }
0x1f0: {  	vm0 =	vmand vm0, vm2;
	v6 =	vor.u32 v7, v6;
	v7 =	vand.u32 $0x380, v8  }
0x1f1: {  	s12 =	sadd.s32 $0x10, s12;
	vm0 =	vmand vm0, vm1;
	v5 =	vand.u32 $0x7F, v5;
	v6 =	vor.u32 v7, v6  }
0x1f2: {  	v7 =	vld [tilespmem:s12+$0x0];
	v5 =	vor.u32 v5, v6;
	_ =	sdelay $0x1  }
.Ltmp13:
0x1f3: {  	(pc) =	sbr.rel @p2 .LBB2_17-.Ltmp13, $3  }
0x1f4: {  	_ =	sdelay $0x1  }
0x1f5: {  	s10 =	sadd.s32 $0x10, s10;
	[tilespmem:v5+s31+$0x0] =	vst.idx.msk vm0, v7  }
0x1f6: {  	s13 =	sadd.s32 $0xFFFFFFFF, s13;
	v5 =	vld [tilespmem:s10+$0xFFFFFFFF]  }
.LBB2_18:
0x1f7: {  	_ =	sdelay $0x1  }
0x1f8: {  	v6 =	vld [tilespmem:s10+$0x0];
	_ =	sdelay $0x1  }
0x1f9: {  	v7 =	vshrl.u32 v5, $0x9  }
0x1fa: {  	vm0 =	vge.s32 v5, v4;
	vm2 =	vlt.s32 v5, v3;
	v7 =	vand.u32 $0x1F8, v7  }
0x1fb: {  	v59 =	vshll.u32 v5, $0x3;
	v60 =	vshrl.u32 v5, $0x2;
	v3 =	vsub.s32 v7, v0  }
0x1fc: {  	vm1 =	vne.s32 v5, v6;
	v4 =	vand.u32 $0xC00, v59;
	v3 =	vshll.u32 v3, $0x9  }
0x1fd: {  	s5 =	sadd.s32 @p1 $0x10, s12;
	vm0 =	vmand vm0, vm2;
	v61 =	vand.u32 $0x380, v60;
	v3 =	vor.u32 v4, v3  }
0x1fe: {  	s9 =	smov.u32 @p1 s5;
	v62 =	vand.u32 $0x7F, v5;
	vm0 =	vmand vm0, vm1;
	v3 =	vor.u32 v61, v3  }
0x1ff: {  	v63 =	vld [tilespmem:s9+$0x0];
	v3 =	vor.u32 v62, v3;
	_ =	sdelay $0x4  }
0x200: {  	[tilespmem:v3+s31+$0x0] =	vst.idx.msk vm0, v63  }
.LBB2_19:
0x201: {  	s5 =	sshrl.u32 s23, $0x3  }
0x202: {  	s5 =	sadd.s32 s6, s5  }
0x203: {  	[hbm4b:s5+s4] =	stream.linear.scatter [tilespmem:s31], [sflag:$0x2], $0x4000, $0x38;
	[tilespmem:$0xC280] =	vst v63  }
.LBB2_20:
0x204: {  	v3 =	vld [tilespmem:s18+$0xC1FE];
	_ =	sdelay $0x4  }
0x205: {  	(v2sf) =	vpush v3, $0x0;
	_ =	sdelay $0xe  }
0x206: {  	s5 =	spop (v2sf)  }
0x207: {  	p1 =	sge.s32 @!p0 s7, s5  }
0x208: {  	p0 =	por p1, p0  }
0x209: {  	s5 =	simm.s32 @!p0 $0x3  }
0x20a: {  	_ =	swait.ge @!p0 [sflag:s5], $0x4000  }
0x20b: {  	[sflag:s5] =	ssyncset.done @!p0 $0x0  }
0x20c: {  	[sflag:s5] =	ssyncadd.s32 @!p0 $0xFFFFC000  }
0x20d: {  	_ =	swait.ge [sflag:s25], $0x800  }
0x20e: {  	[sflag:s25] =	ssyncset.done $0x0  }
0x20f: {  	[sflag:s25] =	ssyncadd.s32 $0xFFFFF800  }
0x210: {  	_ =	swait.ge [sflag:s25], $0x800  }
0x211: {  	[sflag:s25] =	ssyncset.done $0x0  }
0x212: {  	[sflag:s25] =	ssyncadd.s32 $0xFFFFF800  }
0x213: {  	_ =	swait.ge [sflag:s25], $0x800  }
0x214: {  	[sflag:s25] =	ssyncset.done $0x0  }
0x215: {  	[sflag:s25] =	ssyncadd.s32 $0xFFFFF800  }
0x216: {  	_ =	swait.ge [sflag:s25], $0x800  }
0x217: {  	p0 =	seq.s32 s3, $0xF;
	[sflag:s25] =	ssyncset.done $0x0  }
0x218: {  	s5 =	sadd.s32 @!p0 s22, s16;
	[sflag:s25] =	ssyncadd.s32 $0xFFFFF800  }
0x219: {  	s10 =	simm.s32 @!p0 $0x80;
	s5 =	sshll.u32 @!p0 s5, $0x9;
	[tilespmem:$0x6900] =	vst v1  }
0x21a: {  	s12 =	simm.s32 @!p0 $0x100;
	s13 =	simm.s32 @!p0 $0x0;
	s9 =	sadd.s32 @!p0 s1, s5;
	[tilespmem:$0x7980] =	vst v1  }
0x21b: {  	[tilespmem:s13], [sflag:$0x1] =	stream.strided.gather @!p0 [hbm4b:s9+s10], $0x800, s12, s10, $0x38;
	[tilespmem:$0xC280] =	vst v63  }
0x21c: {  	s9 =	sadd.s32 @!p0 s2, s5;
	s13 =	simm.s32 @!p0 $0x880;
	s5 =	sor.u32 @!p0 $0x10, s5  }
0x21d: {  	[tilespmem:s13], [sflag:$0x1] =	stream.strided.gather @!p0 [hbm4b:s9+s10], $0x800, s12, s10, $0x38;
	[tilespmem:$0xC280] =	vst v63  }
0x21e: {  	s9 =	sadd.s32 @!p0 s1, s5;
	s13 =	simm.s32 @!p0 $0x1080  }
0x21f: {  	[tilespmem:s13], [sflag:$0x1] =	stream.strided.gather @!p0 [hbm4b:s9+s10], $0x800, s12, s10, $0x38;
	[tilespmem:$0xC280] =	vst v63  }
0x220: {  	s5 =	sadd.s32 @!p0 s2, s5;
	s9 =	simm.s32 @!p0 $0x1900  }
0x221: {  	[tilespmem:s9], [sflag:$0x1] =	stream.strided.gather @!p0 [hbm4b:s5+s10], $0x800, s12, s10, $0x38;
	[tilespmem:$0xC280] =	vst v63  }
0x222: {  	v3 =	vld [tilespmem:s18+$0xC200];
	_ =	sdelay $0x4  }
0x223: {  	(v2sf) =	vpush v3, $0x0;
	_ =	sdelay $0xe  }
0x224: {  	s22 =	spop (v2sf)  }
0x225: {  	p0 =	sge.s32 s7, s22  }
.Ltmp14:
0x226: {  	_ = 	snop;
	(pc) =	sbr.rel @p0 .LBB2_38-.Ltmp14, $1  }
0x227: {  	_ =	sdelay $0x3  }
0x228: {  	s5 =	simm.s32 $0x0  }
0x229: {  	s9 =	sand.u32 $0x3000, s5;
	s10 =	sand.u32 $0xC00, s5  }
0x22a: {  	s5 =	sand.u32 $0x380, s5;
	s9 =	sor.u32 s10, s9  }
0x22b: {  	s9 =	sor.u32 s9, s5  }
0x22c: {  	[tilespmem:s9+$0x8270] =	vst v2  }
0x22d: {  	[tilespmem:s9+$0x8200] =	vst v2  }
0x22e: {  	[tilespmem:s9+$0x8210] =	vst v2  }
0x22f: {  	s12 =	simm.s32 $0x20;
	[tilespmem:s9+$0x8220] =	vst v2  }
0x230: {  	s13 =	simm.s32 $0x400;
	s17 =	simm.s32 $0x80;
	s10 =	simm.s32 $0x0;
	[tilespmem:s9+$0x8230] =	vst v2  }
.LBB2_22:
0x231: {  	s5 =	sand.u32 $0x3000, s17;
	s19 =	sand.u32 $0xC00, s13;
	s10 =	sadd.s32 $0x8, s10;
	[tilespmem:s9+$0x8240] =	vst v2  }
0x232: {  	s23 =	sand.u32 $0x380, s12;
	s5 =	sor.u32 s19, s5;
	p0 =	slt.u32 s10, $0x3F8;
	[tilespmem:s9+$0x8250] =	vst v2  }
0x233: {  	[tilespmem:s9+$0x8260] =	vst v2;
	s9 =	sor.u32 s5, s23  }
.Ltmp15:
0x234: {  	[tilespmem:s9+$0x8270] =	vst v2;
	(pc) =	sbr.rel @p0 .LBB2_22-.Ltmp15, $4  }
0x235: {  	[tilespmem:s9+$0x8200] =	vst v2  }
0x236: {  	[tilespmem:s9+$0x8210] =	vst v2  }
0x237: {  	[tilespmem:s9+$0x8220] =	vst v2  }
0x238: {  	s12 =	sadd.s32 $0x20, s12;
	s13 =	sadd.s32 $0x400, s13;
	s17 =	sadd.s32 $0x80, s17;
	[tilespmem:s9+$0x8230] =	vst v2  }
0x239: {  	[tilespmem:s9+$0x8240] =	vst v2  }
0x23a: {  	[tilespmem:s9+$0x8250] =	vst v2  }
0x23b: {  	[tilespmem:s9+$0x8260] =	vst v2  }
0x23c: {  	v3 =	vld [tilespmem:$0x6500];
	_ =	sdelay $0x4  }
0x23d: {  	(v2sf) =	vpush v3, $0x0;
	_ =	sdelay $0xd  }
0x23e: {  	s12 =	sshll.u32 s18, $0x12  }
0x23f: {  	s18 =	sor.u32 s15, s12;
	s17 =	spop (v2sf)  }
0x240: {  	s5 =	simm.s32 $0x600;
	p0 =	slt.s32 s17, s18  }
0x241: {  	s5 =	simm.s32 @!p0 $0x200  }
0x242: {  	v3 =	vld [tilespmem:s5+$0x6100];
	_ =	sdelay $0x4  }
0x243: {  	(v2sf) =	vpush v3, $0x0;
	_ =	sdelay $0xe  }
0x244: {  	s10 =	simm.s32 $0x800;
	s13 =	spop (v2sf)  }
0x245: {  	s9 =	simm.s32 $0x401;
	s10 =	simm.s32 @!p0 $0x400;
	p1 =	slt.s32 s13, s18  }
0x246: {  	s9 =	simm.s32 @!p0 $0x0;
	s13 =	sor.u32 $0x1, s5;
	s5 =	smov.u32 @p1 s10  }
0x247: {  	s9 =	smov.u32 @p1 s13;
	s10 =	sadd.s32 $0xFFFFFFFF, s5  }
0x248: {  	s13 =	sxor.u32 s10, s9  }
0x249: {  	s10 =	sor.u32 s10, s9;
	s13 =	sshrl.u32 s13, $0x1  }
0x24a: {  	s10 =	ssub.s32 s10, s13  }
0x24b: {  	v3 =	vld [tilespmem:s10+$0x6100];
	_ =	sdelay $0x4  }
0x24c: {  	(v2sf) =	vpush v3, $0x0;
	_ =	sdelay $0xe  }
0x24d: {  	s19 =	spop (v2sf)  }
0x24e: {  	s13 =	sor.u32 $0x1, s10;
	p0 =	slt.s32 s19, s18  }
0x24f: {  	s9 =	smov.u32 @p0 s13;
	s10 =	smov.u32 @p0 s5  }
0x250: {  	s5 =	sxor.u32 s9, s10  }
0x251: {  	s13 =	sand.u32 s9, s10;
	s5 =	sshrl.u32 s5, $0x1  }
0x252: {  	s5 =	sadd.s32 s5, s13  }
0x253: {  	v3 =	vld [tilespmem:s5+$0x6100];
	_ =	sdelay $0x4  }
0x254: {  	(v2sf) =	vpush v3, $0x0;
	_ =	sdelay $0xe  }
0x255: {  	s23 =	spop (v2sf)  }
0x256: {  	s13 =	sadd.s32 $0x1, s5;
	p0 =	slt.s32 s23, s18  }
0x257: {  	s9 =	smov.u32 @p0 s13;
	s5 =	smov.u32 @p0 s10  }
0x258: {  	s10 =	sxor.u32 s9, s5  }
0x259: {  	s13 =	sand.u32 s9, s5;
	s10 =	sshrl.u32 s10, $0x1  }
0x25a: {  	s10 =	sadd.s32 s10, s13  }
0x25b: {  	v3 =	vld [tilespmem:s10+$0x6100];
	_ =	sdelay $0x4  }
0x25c: {  	(v2sf) =	vpush v3, $0x0;
	_ =	sdelay $0xe  }
0x25d: {  	s24 =	spop (v2sf)  }
0x25e: {  	s13 =	sadd.s32 $0x1, s10;
	p0 =	slt.s32 s24, s18  }
0x25f: {  	s9 =	smov.u32 @p0 s13;
	s10 =	smov.u32 @p0 s5  }
0x260: {  	s5 =	sadd.s32 s9, s10  }
0x261: {  	s5 =	sshrl.u32 s5, $0x1  }
0x262: {  	v3 =	vld [tilespmem:s5+$0x6100];
	_ =	sdelay $0x4  }
0x263: {  	(v2sf) =	vpush v3, $0x0;
	_ =	sdelay $0xe  }
0x264: {  	s19 =	spop (v2sf)  }
0x265: {  	s13 =	sadd.s32 $0x1, s5;
	p0 =	slt.s32 s19, s18  }
0x266: {  	s9 =	smov.u32 @p0 s13;
	s5 =	smov.u32 @p0 s10  }
0x267: {  	s10 =	sadd.s32 s9, s5  }
0x268: {  	s10 =	sshrl.u32 s10, $0x1  }
0x269: {  	v3 =	vld [tilespmem:s10+$0x6100];
	_ =	sdelay $0x4  }
0x26a: {  	(v2sf) =	vpush v3, $0x0;
	_ =	sdelay $0xe  }
0x26b: {  	s23 =	spop (v2sf)  }
0x26c: {  	s13 =	sadd.s32 $0x1, s10;
	p0 =	slt.s32 s23, s18  }
0x26d: {  	s9 =	smov.u32 @p0 s13;
	s10 =	smov.u32 @p0 s5  }
0x26e: {  	s5 =	sadd.s32 s9, s10  }
0x26f: {  	s5 =	sshrl.u32 s5, $0x1  }
0x270: {  	v3 =	vld [tilespmem:s5+$0x6100];
	_ =	sdelay $0x4  }
0x271: {  	(v2sf) =	vpush v3, $0x0;
	_ =	sdelay $0xe  }
0x272: {  	s24 =	spop (v2sf)  }
0x273: {  	s13 =	sadd.s32 $0x1, s5;
	p0 =	slt.s32 s24, s18  }
0x274: {  	s9 =	smov.u32 @p0 s13;
	s5 =	smov.u32 @p0 s10  }
0x275: {  	s10 =	sadd.s32 s9, s5  }
0x276: {  	s10 =	sshrl.u32 s10, $0x1  }
0x277: {  	v3 =	vld [tilespmem:s10+$0x6100];
	_ =	sdelay $0x4  }
0x278: {  	(v2sf) =	vpush v3, $0x0;
	_ =	sdelay $0xe  }
0x279: {  	p0 =	slt.s32 s8, s22;
	s19 =	spop (v2sf)  }
0x27a: {  	s22 =	smov.u32 @p0 s8;
	s13 =	sadd.s32 $0x1, s10;
	p1 =	slt.s32 s19, s18  }
0x27b: {  	s23 =	sshll.u32 s22, $0x9;
	s9 =	smov.u32 @p1 s13;
	s10 =	smov.u32 @p1 s5  }
0x27c: {  	s22 =	sadd.s32 s12, s23;
	s13 =	sadd.s32 s9, s10  }
0x27d: {  	p0 =	slt.s32 s17, s22;
	s5 =	simm.s32 $0x600;
	s13 =	sshrl.u32 s13, $0x1  }
0x27e: {  	s5 =	simm.s32 @!p0 $0x200;
	v3 =	vld [tilespmem:s13+$0x6100]  }
0x27f: {  	v4 =	vld [tilespmem:s5+$0x6100];
	_ =	sdelay $0x3  }
0x280: {  	(v2sf) =	vpush v3, $0x0  }
0x281: {  	(v2sf) =	vpush v4, $0x0;
	_ =	sdelay $0xd  }
0x282: {  	s17 =	spop (v2sf)  }
0x283: {  	s19 =	simm.s32 $0x800;
	s23 =	spop (v2sf)  }
0x284: {  	s12 =	simm.s32 $0x401;
	s19 =	simm.s32 @!p0 $0x400;
	p1 =	slt.s32 s23, s22  }
0x285: {  	s12 =	simm.s32 @!p0 $0x0;
	s23 =	sor.u32 $0x1, s5;
	s5 =	smov.u32 @p1 s19  }
0x286: {  	s12 =	smov.u32 @p1 s23;
	s19 =	sadd.s32 $0xFFFFFFFF, s5  }
0x287: {  	s23 =	sxor.u32 s19, s12  }
0x288: {  	s19 =	sor.u32 s19, s12;
	s23 =	sshrl.u32 s23, $0x1  }
0x289: {  	s19 =	ssub.s32 s19, s23  }
0x28a: {  	v3 =	vld [tilespmem:s19+$0x6100];
	_ =	sdelay $0x4  }
0x28b: {  	(v2sf) =	vpush v3, $0x0;
	_ =	sdelay $0xe  }
0x28c: {  	s24 =	spop (v2sf)  }
0x28d: {  	s23 =	sor.u32 $0x1, s19;
	p0 =	slt.s32 s24, s22  }
0x28e: {  	s12 =	smov.u32 @p0 s23;
	s19 =	smov.u32 @p0 s5  }
0x28f: {  	s5 =	sxor.u32 s12, s19  }
0x290: {  	s23 =	sand.u32 s12, s19;
	s5 =	sshrl.u32 s5, $0x1  }
0x291: {  	s5 =	sadd.s32 s5, s23  }
0x292: {  	v3 =	vld [tilespmem:s5+$0x6100];
	_ =	sdelay $0x4  }
0x293: {  	(v2sf) =	vpush v3, $0x0;
	_ =	sdelay $0xe  }
0x294: {  	s24 =	spop (v2sf)  }
0x295: {  	s23 =	sadd.s32 $0x1, s5;
	p0 =	slt.s32 s24, s22  }
0x296: {  	s12 =	smov.u32 @p0 s23;
	s5 =	smov.u32 @p0 s19  }
0x297: {  	s19 =	sxor.u32 s12, s5  }
0x298: {  	s23 =	sand.u32 s12, s5;
	s19 =	sshrl.u32 s19, $0x1  }
0x299: {  	s19 =	sadd.s32 s19, s23  }
0x29a: {  	v3 =	vld [tilespmem:s19+$0x6100];
	_ =	sdelay $0x4  }
0x29b: {  	(v2sf) =	vpush v3, $0x0;
	_ =	sdelay $0xe  }
0x29c: {  	s24 =	spop (v2sf)  }
0x29d: {  	s23 =	sadd.s32 $0x1, s19;
	p0 =	slt.s32 s24, s22  }
0x29e: {  	s12 =	smov.u32 @p0 s23;
	s19 =	smov.u32 @p0 s5  }
0x29f: {  	s5 =	sadd.s32 s12, s19  }
0x2a0: {  	s5 =	sshrl.u32 s5, $0x1  }
0x2a1: {  	v3 =	vld [tilespmem:s5+$0x6100];
	_ =	sdelay $0x4  }
0x2a2: {  	(v2sf) =	vpush v3, $0x0;
	_ =	sdelay $0xe  }
0x2a3: {  	s24 =	spop (v2sf)  }
0x2a4: {  	s23 =	sadd.s32 $0x1, s5;
	p0 =	slt.s32 s24, s22  }
0x2a5: {  	s12 =	smov.u32 @p0 s23;
	s5 =	smov.u32 @p0 s19  }
0x2a6: {  	s19 =	sadd.s32 s12, s5  }
0x2a7: {  	s19 =	sshrl.u32 s19, $0x1  }
0x2a8: {  	v3 =	vld [tilespmem:s19+$0x6100];
	_ =	sdelay $0x4  }
0x2a9: {  	(v2sf) =	vpush v3, $0x0;
	_ =	sdelay $0xe  }
0x2aa: {  	s24 =	spop (v2sf)  }
0x2ab: {  	s23 =	sadd.s32 $0x1, s19;
	p0 =	slt.s32 s24, s22  }
0x2ac: {  	s12 =	smov.u32 @p0 s23;
	s19 =	smov.u32 @p0 s5  }
0x2ad: {  	s5 =	sadd.s32 s12, s19  }
0x2ae: {  	s5 =	sshrl.u32 s5, $0x1  }
0x2af: {  	v3 =	vld [tilespmem:s5+$0x6100];
	_ =	sdelay $0x4  }
0x2b0: {  	(v2sf) =	vpush v3, $0x0;
	_ =	sdelay $0xe  }
0x2b1: {  	s24 =	spop (v2sf)  }
0x2b2: {  	s23 =	sadd.s32 $0x1, s5;
	p0 =	slt.s32 s24, s22  }
0x2b3: {  	s12 =	smov.u32 @p0 s23;
	s5 =	smov.u32 @p0 s19  }
0x2b4: {  	s19 =	sadd.s32 s12, s5  }
0x2b5: {  	s19 =	sshrl.u32 s19, $0x1  }
0x2b6: {  	v3 =	vld [tilespmem:s19+$0x6100];
	_ =	sdelay $0x4  }
0x2b7: {  	(v2sf) =	vpush v3, $0x0;
	_ =	sdelay $0xe  }
0x2b8: {  	s24 =	spop (v2sf)  }
0x2b9: {  	s23 =	sadd.s32 $0x1, s19;
	p0 =	slt.s32 s24, s22  }
0x2ba: {  	s12 =	smov.u32 @p0 s23;
	s19 =	smov.u32 @p0 s5  }
0x2bb: {  	s5 =	sadd.s32 s12, s19  }
0x2bc: {  	s5 =	sshrl.u32 s5, $0x1  }
0x2bd: {  	v3 =	vld [tilespmem:s5+$0x6100];
	_ =	sdelay $0x4  }
0x2be: {  	(v2sf) =	vpush v3, $0x0;
	_ =	sdelay $0xe  }
0x2bf: {  	s24 =	spop (v2sf)  }
0x2c0: {  	s23 =	sadd.s32 $0x1, s5;
	p0 =	slt.s32 s24, s22  }
0x2c1: {  	s12 =	smov.u32 @p0 s23  }
0x2c2: {  	s5 =	smov.u32 @p0 s19;
	p0 =	slt.s32 s17, s18;
	s17 =	sadd.s32 $0x1, s13  }
0x2c3: {  	s9 =	smov.u32 @p0 s17;
	s13 =	smov.u32 @p0 s10;
	s5 =	sadd.s32 s12, s5  }
0x2c4: {  	s10 =	sadd.s32 s9, s13;
	s5 =	sshrl.u32 s5, $0x1  }
0x2c5: {  	s10 =	sshrl.u32 s10, $0x1;
	v3 =	vld [tilespmem:s5+$0x6100]  }
0x2c6: {  	v4 =	vld [tilespmem:s10+$0x6100];
	_ =	sdelay $0x3  }
0x2c7: {  	(v2sf) =	vpush v3, $0x0  }
0x2c8: {  	(v2sf) =	vpush v4, $0x0;
	_ =	sdelay $0xd  }
0x2c9: {  	s19 =	spop (v2sf)  }
0x2ca: {  	s5 =	sadd.s32 $0x1, s5;
	p0 =	slt.s32 s19, s22;
	s23 =	spop (v2sf)  }
0x2cb: {  	s12 =	smov.u32 @p0 s5;
	p0 =	slt.s32 s23, s18;
	s5 =	sadd.s32 $0x1, s10  }
0x2cc: {  	s9 =	smov.u32 @p0 s5;
	s24 =	sadd.s32 $0xF, s12  }
0x2cd: {  	s9 =	sshrl.u32 s9, $0x4;
	s10 =	sshrl.u32 s24, $0x4  }
0x2ce: {  	p0 =	sle.u32 s10, s9  }
.Ltmp16:
0x2cf: {  	_ = 	snop;
	(pc) =	sbr.rel @p0 .LBB2_30-.Ltmp16, $2  }
0x2d0: {  	_ =	sdelay $0x2  }
0x2d1: {  	v3 =	vmov s22;
	v4 =	vmov s18  }
0x2d2: {  	s12 =	ssub.s32 s10, s9  }
0x2d3: {  	p1 =	seq.s32 s12, $0x1  }
.Ltmp17:
0x2d4: {  	_ = 	snop;
	(pc) =	sbr.rel @p1 .LBB2_25-.Ltmp17, $4  }
0x2d5: {  	s5 =	sshll.u32 s9, $0x6  }
0x2d6: {  	s5 =	sshra.s32 s5, $0x2  }
0x2d7: {  	s10 =	sadd.s32 $0x6101, s5  }
0x2d8: {  	p0 =	por $0x0, $0x0;
	s12 =	sadd.s32 $0xFFFFFFFF, s12;
	s9 =	sadd.s32 $0x6980, s5;
	v5 =	vld [tilespmem:s10+$0xFFFFFFFF]  }
0x2d9: {  	_ = 	snop  }
0x2da: {  	v6 =	vld [tilespmem:s10+$0x0];
	_ =	sdelay $0x2  }
0x2db: {  	v7 =	vshrl.u32 v5, $0x9  }
0x2dc: {  	vm0 =	vge.s32 v5, v4;
	vm2 =	vlt.s32 v5, v3;
	v7 =	vand.u32 $0x1F8, v7  }
0x2dd: {  	vm1 =	vne.s32 v5, v6;
	v6 =	vsub.s32 v7, v0;
	v7 =	vshll.u32 v5, $0x3  }
0x2de: {  	v8 =	vshrl.u32 v5, $0x2;
	v6 =	vshll.u32 v6, $0x9;
	v7 =	vand.u32 $0xC00, v7  }
0x2df: {  	vm0 =	vmand vm0, vm2;
	v6 =	vor.u32 v7, v6;
	v7 =	vand.u32 $0x380, v8  }
0x2e0: {  	vm0 =	vmand vm0, vm1;
	v5 =	vand.u32 $0x7F, v5;
	v6 =	vor.u32 v7, v6  }
0x2e1: {  	v7 =	vld [tilespmem:s9+$0x0];
	v5 =	vor.u32 v5, v6  }
0x2e2: {  	p1 =	seq.s32 s12, $0x1  }
.Ltmp18:
0x2e3: {  	_ = 	snop;
	(pc) =	sbr.rel @p1 .LBB2_27-.Ltmp18, $3  }
0x2e4: {  	_ =	sdelay $0x1  }
0x2e5: {  	s10 =	sadd.s32 $0x10, s10;
	[tilespmem:v5+s0+$0x0] =	vst.idx.msk vm0, v7  }
0x2e6: {  	s13 =	sadd.s32 $0xFFFFFFFF, s12;
	p0 =	por $0x1, $0x1;
	s12 =	smov.u32 s9;
	v5 =	vld [tilespmem:s10+$0xFFFFFFFF]  }
.LBB2_28:
0x2e7: {  	p1 =	seq.s32 s13, $0x1;
	v6 =	vld [tilespmem:s10+$0x0];
	_ =	sdelay $0x3  }
0x2e8: {  	v7 =	vshrl.u32 v5, $0x9  }
0x2e9: {  	vm0 =	vge.s32 v5, v4;
	v7 =	vand.u32 $0x1F8, v7;
	vm1 =	vne.s32 v5, v6  }
0x2ea: {  	vm2 =	vlt.s32 v5, v3;
	v6 =	vsub.s32 v7, v0;
	v7 =	vshll.u32 v5, $0x3  }
0x2eb: {  	v8 =	vshrl.u32 v5, $0x2;
	v6 =	vshll.u32 v6, $0x9;
	v7 =	vand.u32 $0xC00, v7  }
0x2ec: {  	vm0 =	vmand vm0, vm2;
	v6 =	vor.u32 v7, v6;
	v7 =	vand.u32 $0x380, v8  }
0x2ed: {  	s12 =	sadd.s32 $0x10, s12;
	vm0 =	vmand vm0, vm1;
	v5 =	vand.u32 $0x7F, v5;
	v6 =	vor.u32 v7, v6  }
0x2ee: {  	v7 =	vld [tilespmem:s12+$0x0];
	v5 =	vor.u32 v5, v6;
	_ =	sdelay $0x1  }
.Ltmp19:
0x2ef: {  	(pc) =	sbr.rel @!p1 .LBB2_28-.Ltmp19, $3  }
0x2f0: {  	_ =	sdelay $0x1  }
0x2f1: {  	s10 =	sadd.s32 $0x10, s10;
	[tilespmem:v5+s0+$0x0] =	vst.idx.msk vm0, v7  }
0x2f2: {  	s13 =	sadd.s32 $0xFFFFFFFF, s13;
	v5 =	vld [tilespmem:s10+$0xFFFFFFFF]  }
.LBB2_29:
0x2f3: {  	_ = 	snop  }
0x2f4: {  	v6 =	vld [tilespmem:s10+$0x0];
	_ =	sdelay $0x2  }
0x2f5: {  	v7 =	vshrl.u32 v5, $0x9  }
0x2f6: {  	vm0 =	vge.s32 v5, v4;
	vm2 =	vlt.s32 v5, v3;
	v7 =	vand.u32 $0x1F8, v7  }
0x2f7: {  	vm1 =	vne.s32 v5, v6;
	v6 =	vsub.s32 v7, v0;
	v7 =	vshll.u32 v5, $0x3  }
0x2f8: {  	v8 =	vshrl.u32 v5, $0x2;
	v6 =	vshll.u32 v6, $0x9;
	v7 =	vand.u32 $0xC00, v7  }
0x2f9: {  	s5 =	sadd.s32 @p0 $0x10, s12;
	vm0 =	vmand vm0, vm2;
	v6 =	vor.u32 v7, v6;
	v7 =	vand.u32 $0x380, v8  }
0x2fa: {  	s9 =	smov.u32 @p0 s5;
	vm0 =	vmand vm0, vm1;
	v5 =	vand.u32 $0x7F, v5;
	v6 =	vor.u32 v7, v6  }
0x2fb: {  	v7 =	vld [tilespmem:s9+$0x0];
	v5 =	vor.u32 v5, v6;
	_ =	sdelay $0x4  }
0x2fc: {  	[tilespmem:v5+s0+$0x0] =	vst.idx.msk vm0, v7  }
.LBB2_30:
0x2fd: {  	v5 =	vld [tilespmem:$0x7580];
	_ =	sdelay $0x4  }
0x2fe: {  	(v2sf) =	vpush v5, $0x0;
	_ =	sdelay $0xe  }
0x2ff: {  	s12 =	spop (v2sf)  }
0x300: {  	s5 =	simm.s32 $0x600;
	p0 =	slt.s32 s12, s18  }
0x301: {  	s5 =	simm.s32 @!p0 $0x200  }
0x302: {  	v5 =	vld [tilespmem:s5+$0x7180];
	_ =	sdelay $0x4  }
0x303: {  	(v2sf) =	vpush v5, $0x0;
	_ =	sdelay $0xe  }
0x304: {  	s10 =	simm.s32 $0x800;
	s13 =	spop (v2sf)  }
0x305: {  	s9 =	simm.s32 $0x401;
	s10 =	simm.s32 @!p0 $0x400;
	p1 =	slt.s32 s13, s18  }
0x306: {  	s9 =	simm.s32 @!p0 $0x0;
	s13 =	sor.u32 $0x1, s5;
	s5 =	smov.u32 @p1 s10  }
0x307: {  	s9 =	smov.u32 @p1 s13;
	s10 =	sadd.s32 $0xFFFFFFFF, s5  }
0x308: {  	s13 =	sxor.u32 s10, s9  }
0x309: {  	s10 =	sor.u32 s10, s9;
	s13 =	sshrl.u32 s13, $0x1  }
0x30a: {  	s10 =	ssub.s32 s10, s13  }
0x30b: {  	v5 =	vld [tilespmem:s10+$0x7180];
	_ =	sdelay $0x4  }
0x30c: {  	(v2sf) =	vpush v5, $0x0;
	_ =	sdelay $0xe  }
0x30d: {  	s17 =	spop (v2sf)  }
0x30e: {  	s13 =	sor.u32 $0x1, s10;
	p0 =	slt.s32 s17, s18  }
0x30f: {  	s9 =	smov.u32 @p0 s13;
	s10 =	smov.u32 @p0 s5  }
0x310: {  	s5 =	sxor.u32 s9, s10  }
0x311: {  	s13 =	sand.u32 s9, s10;
	s5 =	sshrl.u32 s5, $0x1  }
0x312: {  	s5 =	sadd.s32 s5, s13  }
0x313: {  	v5 =	vld [tilespmem:s5+$0x7180];
	_ =	sdelay $0x4  }
0x314: {  	(v2sf) =	vpush v5, $0x0;
	_ =	sdelay $0xe  }
0x315: {  	s19 =	spop (v2sf)  }
0x316: {  	s13 =	sadd.s32 $0x1, s5;
	p0 =	slt.s32 s19, s18  }
0x317: {  	s9 =	smov.u32 @p0 s13;
	s5 =	smov.u32 @p0 s10  }
0x318: {  	s10 =	sxor.u32 s9, s5  }
0x319: {  	s13 =	sand.u32 s9, s5;
	s10 =	sshrl.u32 s10, $0x1  }
0x31a: {  	s10 =	sadd.s32 s10, s13  }
0x31b: {  	v5 =	vld [tilespmem:s10+$0x7180];
	_ =	sdelay $0x4  }
0x31c: {  	(v2sf) =	vpush v5, $0x0;
	_ =	sdelay $0xe  }
0x31d: {  	s23 =	spop (v2sf)  }
0x31e: {  	s13 =	sadd.s32 $0x1, s10;
	p0 =	slt.s32 s23, s18  }
0x31f: {  	s9 =	smov.u32 @p0 s13;
	s10 =	smov.u32 @p0 s5  }
0x320: {  	s5 =	sadd.s32 s9, s10  }
0x321: {  	s5 =	sshrl.u32 s5, $0x1  }
0x322: {  	v5 =	vld [tilespmem:s5+$0x7180];
	_ =	sdelay $0x4  }
0x323: {  	(v2sf) =	vpush v5, $0x0;
	_ =	sdelay $0xe  }
0x324: {  	s24 =	spop (v2sf)  }
0x325: {  	s13 =	sadd.s32 $0x1, s5;
	p0 =	slt.s32 s24, s18  }
0x326: {  	s9 =	smov.u32 @p0 s13;
	s5 =	smov.u32 @p0 s10  }
0x327: {  	s10 =	sadd.s32 s9, s5  }
0x328: {  	s10 =	sshrl.u32 s10, $0x1  }
0x329: {  	v5 =	vld [tilespmem:s10+$0x7180];
	_ =	sdelay $0x4  }
0x32a: {  	(v2sf) =	vpush v5, $0x0;
	_ =	sdelay $0xe  }
0x32b: {  	s17 =	spop (v2sf)  }
0x32c: {  	s13 =	sadd.s32 $0x1, s10;
	p0 =	slt.s32 s17, s18  }
0x32d: {  	s9 =	smov.u32 @p0 s13;
	s10 =	smov.u32 @p0 s5  }
0x32e: {  	s5 =	sadd.s32 s9, s10  }
0x32f: {  	s5 =	sshrl.u32 s5, $0x1  }
0x330: {  	v5 =	vld [tilespmem:s5+$0x7180];
	_ =	sdelay $0x4  }
0x331: {  	(v2sf) =	vpush v5, $0x0;
	_ =	sdelay $0xe  }
0x332: {  	s19 =	spop (v2sf)  }
0x333: {  	s13 =	sadd.s32 $0x1, s5;
	p0 =	slt.s32 s19, s18  }
0x334: {  	s9 =	smov.u32 @p0 s13;
	s5 =	smov.u32 @p0 s10  }
0x335: {  	s10 =	sadd.s32 s9, s5  }
0x336: {  	s10 =	sshrl.u32 s10, $0x1  }
0x337: {  	v5 =	vld [tilespmem:s10+$0x7180];
	_ =	sdelay $0x4  }
0x338: {  	(v2sf) =	vpush v5, $0x0;
	_ =	sdelay $0xe  }
0x339: {  	s23 =	spop (v2sf)  }
0x33a: {  	s13 =	sadd.s32 $0x1, s10;
	p0 =	slt.s32 s23, s18  }
0x33b: {  	s9 =	smov.u32 @p0 s13;
	s10 =	smov.u32 @p0 s5  }
0x33c: {  	s5 =	sadd.s32 s9, s10  }
0x33d: {  	p0 =	slt.s32 s12, s22;
	s13 =	sshrl.u32 s5, $0x1;
	s5 =	simm.s32 $0x600  }
0x33e: {  	v5 =	vld [tilespmem:s13+$0x7180];
	s5 =	simm.s32 @!p0 $0x200  }
0x33f: {  	v6 =	vld [tilespmem:s5+$0x7180];
	_ =	sdelay $0x3  }
0x340: {  	(v2sf) =	vpush v5, $0x0  }
0x341: {  	(v2sf) =	vpush v6, $0x0;
	_ =	sdelay $0xd  }
0x342: {  	s17 =	spop (v2sf)  }
0x343: {  	s19 =	simm.s32 $0x800;
	s23 =	spop (v2sf)  }
0x344: {  	s12 =	simm.s32 $0x401;
	s19 =	simm.s32 @!p0 $0x400;
	p1 =	slt.s32 s23, s22  }
0x345: {  	s12 =	simm.s32 @!p0 $0x0;
	s23 =	sor.u32 $0x1, s5;
	s5 =	smov.u32 @p1 s19  }
0x346: {  	s12 =	smov.u32 @p1 s23;
	s19 =	sadd.s32 $0xFFFFFFFF, s5  }
0x347: {  	s23 =	sxor.u32 s19, s12  }
0x348: {  	s19 =	sor.u32 s19, s12;
	s23 =	sshrl.u32 s23, $0x1  }
0x349: {  	s19 =	ssub.s32 s19, s23  }
0x34a: {  	v5 =	vld [tilespmem:s19+$0x7180];
	_ =	sdelay $0x4  }
0x34b: {  	(v2sf) =	vpush v5, $0x0;
	_ =	sdelay $0xe  }
0x34c: {  	s24 =	spop (v2sf)  }
0x34d: {  	s23 =	sor.u32 $0x1, s19;
	p0 =	slt.s32 s24, s22  }
0x34e: {  	s12 =	smov.u32 @p0 s23;
	s19 =	smov.u32 @p0 s5  }
0x34f: {  	s5 =	sxor.u32 s12, s19  }
0x350: {  	s23 =	sand.u32 s12, s19;
	s5 =	sshrl.u32 s5, $0x1  }
0x351: {  	s5 =	sadd.s32 s5, s23  }
0x352: {  	v5 =	vld [tilespmem:s5+$0x7180];
	_ =	sdelay $0x4  }
0x353: {  	(v2sf) =	vpush v5, $0x0;
	_ =	sdelay $0xe  }
0x354: {  	s24 =	spop (v2sf)  }
0x355: {  	s23 =	sadd.s32 $0x1, s5;
	p0 =	slt.s32 s24, s22  }
0x356: {  	s12 =	smov.u32 @p0 s23;
	s5 =	smov.u32 @p0 s19  }
0x357: {  	s19 =	sxor.u32 s12, s5  }
0x358: {  	s23 =	sand.u32 s12, s5;
	s19 =	sshrl.u32 s19, $0x1  }
0x359: {  	s19 =	sadd.s32 s19, s23  }
0x35a: {  	v5 =	vld [tilespmem:s19+$0x7180];
	_ =	sdelay $0x4  }
0x35b: {  	(v2sf) =	vpush v5, $0x0;
	_ =	sdelay $0xe  }
0x35c: {  	s24 =	spop (v2sf)  }
0x35d: {  	s23 =	sadd.s32 $0x1, s19;
	p0 =	slt.s32 s24, s22  }
0x35e: {  	s12 =	smov.u32 @p0 s23;
	s19 =	smov.u32 @p0 s5  }
0x35f: {  	s5 =	sadd.s32 s12, s19  }
0x360: {  	s5 =	sshrl.u32 s5, $0x1  }
0x361: {  	v5 =	vld [tilespmem:s5+$0x7180];
	_ =	sdelay $0x4  }
0x362: {  	(v2sf) =	vpush v5, $0x0;
	_ =	sdelay $0xe  }
0x363: {  	s24 =	spop (v2sf)  }
0x364: {  	s23 =	sadd.s32 $0x1, s5;
	p0 =	slt.s32 s24, s22  }
0x365: {  	s12 =	smov.u32 @p0 s23;
	s5 =	smov.u32 @p0 s19  }
0x366: {  	s19 =	sadd.s32 s12, s5  }
0x367: {  	s19 =	sshrl.u32 s19, $0x1  }
0x368: {  	v5 =	vld [tilespmem:s19+$0x7180];
	_ =	sdelay $0x4  }
0x369: {  	(v2sf) =	vpush v5, $0x0;
	_ =	sdelay $0xe  }
0x36a: {  	s24 =	spop (v2sf)  }
0x36b: {  	s23 =	sadd.s32 $0x1, s19;
	p0 =	slt.s32 s24, s22  }
0x36c: {  	s12 =	smov.u32 @p0 s23;
	s19 =	smov.u32 @p0 s5  }
0x36d: {  	s5 =	sadd.s32 s12, s19  }
0x36e: {  	s5 =	sshrl.u32 s5, $0x1  }
0x36f: {  	v5 =	vld [tilespmem:s5+$0x7180];
	_ =	sdelay $0x4  }
0x370: {  	(v2sf) =	vpush v5, $0x0;
	_ =	sdelay $0xe  }
0x371: {  	s24 =	spop (v2sf)  }
0x372: {  	s23 =	sadd.s32 $0x1, s5;
	p0 =	slt.s32 s24, s22  }
0x373: {  	s12 =	smov.u32 @p0 s23;
	s5 =	smov.u32 @p0 s19  }
0x374: {  	s19 =	sadd.s32 s12, s5  }
0x375: {  	s19 =	sshrl.u32 s19, $0x1  }
0x376: {  	v5 =	vld [tilespmem:s19+$0x7180];
	_ =	sdelay $0x4  }
0x377: {  	(v2sf) =	vpush v5, $0x0;
	_ =	sdelay $0xe  }
0x378: {  	s24 =	spop (v2sf)  }
0x379: {  	s23 =	sadd.s32 $0x1, s19;
	p0 =	slt.s32 s24, s22  }
0x37a: {  	s12 =	smov.u32 @p0 s23;
	s19 =	smov.u32 @p0 s5  }
0x37b: {  	s5 =	sadd.s32 s12, s19  }
0x37c: {  	s5 =	sshrl.u32 s5, $0x1  }
0x37d: {  	v5 =	vld [tilespmem:s5+$0x7180];
	_ =	sdelay $0x4  }
0x37e: {  	(v2sf) =	vpush v5, $0x0;
	_ =	sdelay $0xe  }
0x37f: {  	s24 =	spop (v2sf)  }
0x380: {  	s23 =	sadd.s32 $0x1, s5;
	p0 =	slt.s32 s24, s22  }
0x381: {  	s12 =	smov.u32 @p0 s23  }
0x382: {  	s5 =	smov.u32 @p0 s19;
	p0 =	slt.s32 s17, s18;
	s17 =	sadd.s32 $0x1, s13  }
0x383: {  	s9 =	smov.u32 @p0 s17;
	s13 =	smov.u32 @p0 s10;
	s5 =	sadd.s32 s12, s5  }
0x384: {  	s10 =	sadd.s32 s9, s13;
	s5 =	sshrl.u32 s5, $0x1  }
0x385: {  	s10 =	sshrl.u32 s10, $0x1;
	v5 =	vld [tilespmem:s5+$0x7180]  }
0x386: {  	v6 =	vld [tilespmem:s10+$0x7180];
	_ =	sdelay $0x3  }
0x387: {  	(v2sf) =	vpush v5, $0x0  }
0x388: {  	(v2sf) =	vpush v6, $0x0;
	_ =	sdelay $0xd  }
0x389: {  	s19 =	spop (v2sf)  }
0x38a: {  	s5 =	sadd.s32 $0x1, s5;
	p0 =	slt.s32 s19, s22;
	s23 =	spop (v2sf)  }
0x38b: {  	s12 =	smov.u32 @p0 s5;
	p0 =	slt.s32 s23, s18;
	s5 =	sadd.s32 $0x1, s10  }
0x38c: {  	s9 =	smov.u32 @p0 s5;
	s24 =	sadd.s32 $0xF, s12  }
0x38d: {  	s9 =	sshrl.u32 s9, $0x4;
	s10 =	sshrl.u32 s24, $0x4  }
0x38e: {  	p0 =	sgt.u32 s10, s9  }
.Ltmp20:
0x38f: {  	_ = 	snop;
	(pc) =	sbr.rel @!p0 .LBB2_37-.Ltmp20, $1  }
0x390: {  	_ =	sdelay $0x3  }
0x391: {  	s5 =	sshll.u32 s9, $0x6;
	s12 =	ssub.s32 s10, s9  }
0x392: {  	s5 =	sshra.s32 s5, $0x2;
	p1 =	sne.s32 s12, $0x1  }
.Ltmp21:
0x393: {  	s10 =	sadd.s32 $0x7181, s5;
	(pc) =	sbr.rel @!p1 .LBB2_32-.Ltmp21, $2  }
0x394: {  	v5 =	vld [tilespmem:s10+$0xFFFFFFFF];
	_ =	sdelay $0x2  }
0x395: {  	p0 =	por $0x0, $0x0;
	s12 =	sadd.s32 $0xFFFFFFFF, s12;
	s9 =	sadd.s32 $0x7A00, s5  }
0x396: {  	v6 =	vld [tilespmem:s10+$0x0];
	_ =	sdelay $0x2  }
0x397: {  	v7 =	vshrl.u32 v5, $0x9  }
0x398: {  	vm0 =	vge.s32 v5, v4;
	vm2 =	vlt.s32 v5, v3;
	v7 =	vand.u32 $0x1F8, v7  }
0x399: {  	vm1 =	vne.s32 v5, v6;
	v6 =	vsub.s32 v7, v0;
	v7 =	vshll.u32 v5, $0x3  }
0x39a: {  	v8 =	vshrl.u32 v5, $0x2;
	v6 =	vshll.u32 v6, $0x9;
	v7 =	vand.u32 $0xC00, v7  }
0x39b: {  	vm0 =	vmand vm0, vm2;
	v6 =	vor.u32 v7, v6;
	v7 =	vand.u32 $0x380, v8  }
0x39c: {  	v5 =	vand.u32 $0x7F, v5;
	vm0 =	vmand vm0, vm1;
	v6 =	vor.u32 v7, v6  }
0x39d: {  	v7 =	vld [tilespmem:s9+$0x0];
	v5 =	vor.u32 v5, v6;
	_ =	sdelay $0x3  }
0x39e: {  	p1 =	sne.s32 s12, $0x1  }
.Ltmp22:
0x39f: {  	s10 =	sadd.s32 $0x10, s10;
	[tilespmem:v5+s0+$0x0] =	vst.idx.msk vm0, v7;
	(pc) =	sbr.rel @!p1 .LBB2_34-.Ltmp22, $2  }
0x3a0: {  	v5 =	vld [tilespmem:s10+$0xFFFFFFFF];
	_ =	sdelay $0x2  }
0x3a1: {  	s13 =	sadd.s32 $0xFFFFFFFF, s12;
	p0 =	por $0x1, $0x1;
	s12 =	smov.u32 s9  }
.LBB2_35:
0x3a2: {  	p1 =	sne.s32 s13, $0x1;
	v6 =	vld [tilespmem:s10+$0x0];
	_ =	sdelay $0x3  }
0x3a3: {  	v7 =	vshrl.u32 v5, $0x9  }
0x3a4: {  	vm0 =	vge.s32 v5, v4;
	v7 =	vand.u32 $0x1F8, v7;
	vm1 =	vne.s32 v5, v6  }
0x3a5: {  	vm2 =	vlt.s32 v5, v3;
	v6 =	vsub.s32 v7, v0;
	v7 =	vshll.u32 v5, $0x3  }
0x3a6: {  	v8 =	vshrl.u32 v5, $0x2;
	v6 =	vshll.u32 v6, $0x9;
	v7 =	vand.u32 $0xC00, v7  }
0x3a7: {  	vm0 =	vmand vm0, vm2;
	v6 =	vor.u32 v7, v6;
	v7 =	vand.u32 $0x380, v8  }
0x3a8: {  	s12 =	sadd.s32 $0x10, s12;
	v5 =	vand.u32 $0x7F, v5;
	vm0 =	vmand vm0, vm1;
	v6 =	vor.u32 v7, v6  }
0x3a9: {  	v5 =	vor.u32 v5, v6;
	v7 =	vld [tilespmem:s12+$0x0];
	_ =	sdelay $0x1  }
.Ltmp23:
0x3aa: {  	(pc) =	sbr.rel @p1 .LBB2_35-.Ltmp23, $3  }
0x3ab: {  	_ =	sdelay $0x1  }
0x3ac: {  	s10 =	sadd.s32 $0x10, s10;
	[tilespmem:v5+s0+$0x0] =	vst.idx.msk vm0, v7  }
0x3ad: {  	s13 =	sadd.s32 $0xFFFFFFFF, s13;
	v5 =	vld [tilespmem:s10+$0xFFFFFFFF]  }
.Ltmp24:
0x3ae: {  	_ = 	snop;
	(pc) =	sbr.rel .LBB2_36-.Ltmp24, $1  }
0x3af: {  	_ =	sdelay $0x3  }
.LBB2_7:
.Ltmp25:
0x3b0: {  	(pc) =	sbr.rel .LBB2_11-.Ltmp25, $2  }
0x3b1: {  	_ =	sdelay $0x2  }
0x3b2: {  	s12 =	smov.u32 s9  }
.LBB2_14:
.Ltmp26:
0x3b3: {  	(pc) =	sbr.rel .LBB2_18-.Ltmp26, $2  }
0x3b4: {  	_ =	sdelay $0x2  }
0x3b5: {  	s12 =	smov.u32 s9  }
.LBB2_25:
.Ltmp27:
0x3b6: {  	(pc) =	sbr.rel .LBB2_29-.Ltmp27, $2  }
0x3b7: {  	_ =	sdelay $0x2  }
0x3b8: {  	s12 =	smov.u32 s9  }
.LBB2_9:
.Ltmp28:
0x3b9: {  	(pc) =	sbr.rel .LBB2_11-.Ltmp28, $2  }
0x3ba: {  	_ =	sdelay $0x2  }
0x3bb: {  	s12 =	smov.u32 s9  }
.LBB2_16:
.Ltmp29:
0x3bc: {  	(pc) =	sbr.rel .LBB2_18-.Ltmp29, $2  }
0x3bd: {  	_ =	sdelay $0x2  }
0x3be: {  	s12 =	smov.u32 s9  }
.LBB2_27:
.Ltmp30:
0x3bf: {  	(pc) =	sbr.rel .LBB2_29-.Ltmp30, $2  }
0x3c0: {  	_ =	sdelay $0x2  }
0x3c1: {  	s12 =	smov.u32 s9  }
.LBB2_34:
.Ltmp31:
0x3c2: {  	(pc) =	sbr.rel .LBB2_36-.Ltmp31, $2  }
0x3c3: {  	_ =	sdelay $0x2  }
0x3c4: {  	s12 =	smov.u32 s9  }
.LBB2_40:
0x3c5: {  	_ =	sfence.sel $0x180000  }
0x3c6: {  	[bflag:$0x0] =	sbarrier.arrive $0xFFFF  }
0x3c7: {  	_ =	strace $0x90000047  }
0x3c8: {  	s0 =	stileid.u32;
	[bflag:$0x2] =	sbarrier.arrive $0xFFFF  }
0x3c9: {  	p0 =	sne.s32 s0, $0x0;
	s0 =	rddreg [dreg:$0x3]  }
0x3ca: {  	s0 =	sadd.s32 @!p0 $0x100000, s0  }
0x3cb: {  	[sflag:s0] =	ssyncadd.tile.s32 @!p0 $0x1;
	_ =	shalt  }
.Lfunc_end2:
_tile_overlayer_lowered:
.L_overlay_start_2:
0x3cc: {  	(tag) =	ssettag $0x2  }
0x3cd: {  	s0 =	rddreg [dreg:$0x0];
	s2 =	stileid.u32  }
0x3ce: {  	s1 =	rddreg [dreg:$0x1];
	p0 =	sne.s32 s2, $0x0  }
0x3cf: {  	s3 =	rddreg [dreg:$0x2];
	[bflag:$0x3] =	sbarrier.arrive $0xFFFF;
	s2 =	simm.s32 @!p0 $0x1C04  }
0x3d0: {  	[timem:s3], [sflag:s2] =	dma.local @!p0 [hbm:s0], s1  }
0x3d1: {  	s0 =	simm.s32 @!p0 $0x4  }
0x3d2: {  	_ =	swait.ge @!p0 [sflag:s0], s1  }
0x3d3: {  	s1 =	ssub.s32 @!p0 $0x0, s1;
	[sflag:s0] =	ssyncset.done @!p0 $0x0  }
0x3d4: {  	[sflag:s0] =	ssyncadd.s32 @!p0 s1  }
0x3d5: {  	[bflag:$0x3] =	sbarrier.arrive $0xFFFF  }
0x3d6: {  	_ =	shalt  }

</sc_bundles>
